<compile_context>
chip_gen: v7x
topology: tpu7x:2x2x1
jax: 0.10.2.dev20260603
libtpu: 0.0.44.dev20260713+nightly
codegen_flags: <defaults>
</compile_context>

<pallas_src>
import functools

import jax
import jax.numpy as jnp
from jax import lax
from jax.experimental import pallas as pl
from jax.experimental.pallas import tpu as pltpu
from jax.experimental.pallas import tpu_sc as plsc

HIDDEN = 768
D_FF = 2048
EPS = 1e-06
INTERPRET = False


def _rms(x, w):
    v = jnp.mean(x * x, axis=-1, keepdims=True)
    return x * jax.lax.rsqrt(v + EPS) * w


def _k12_body(x_ref, decnw_ref, wg_ref, wu_ref, wd_ref, pnw_ref, wmu_ref,
              wlv_ref, wcr_ref, bcr_ref, proc_ref, g_ref, idx_ref, gsel_ref,
              loss_ref, g_s, logit_s, spl_s, *, k, n_tok, nblk, tpb):
    i = pl.program_id(0)
    x = x_ref[...]
    h = _rms(x, decnw_ref[...])
    hg = jnp.dot(h, wg_ref[...], preferred_element_type=jnp.float32)
    hu = jnp.dot(h, wu_ref[...], preferred_element_type=jnp.float32)
    act = (hg * jax.nn.sigmoid(hg)) * hu
    delta = jnp.dot(act, wd_ref[...], preferred_element_type=jnp.float32)
    proc_ref[...] = x + delta

    xn = _rms(x, pnw_ref[...])
    mu = jnp.dot(xn, wmu_ref[...], preferred_element_type=jnp.float32)
    lv = jnp.dot(xn, wlv_ref[...], preferred_element_type=jnp.float32)
    d_st = jnp.sum(delta * delta, axis=-1) / float(HIDDEN)
    d_ch = 0.5 * jnp.mean(
        lv + (1.0 + (delta - mu) ** 2) * jnp.exp(-lv) - 1.0, axis=-1)
    gv = jax.nn.sigmoid(d_st - d_ch)
    g_ref[0, 0, :] = gv

    logit = jnp.dot(x, wcr_ref[...],
                    preferred_element_type=jnp.float32)[:, 0] + bcr_ref[0, :]
    spl = jnp.maximum(logit, 0.0) + jnp.log1p(jnp.exp(-jnp.abs(logit)))

    b = i // tpb
    c0 = (i % tpb) * x.shape[0]
    sl = (pl.ds(b, 1), pl.ds(c0, x.shape[0]))
    g_s[sl] = gv.reshape(1, -1)
    logit_s[sl] = logit.reshape(1, -1)
    spl_s[sl] = spl.reshape(1, -1)

    @pl.when(i == nblk - 1)
    def _():
        _k2_work(g_s, logit_s, spl_s, idx_ref, gsel_ref, loss_ref, k=k,
                 n_tok=n_tok)


def _k2_work(g_ref, logit_ref, s1_ref, idx_ref, gsel_ref, loss_ref, *, k,
             n_tok):
    B, T = g_ref.shape
    g = g_ref[...]
    gi = jax.lax.bitcast_convert_type(g, jnp.int32)

    def bs_step(i, lo):
        cand = lo | jnp.left_shift(jnp.int32(1), 30 - i)
        cnt = jnp.sum((gi >= cand).astype(jnp.int32), axis=1, keepdims=True)
        return jnp.where(cnt >= k, cand, lo)

    lo = jnp.zeros((B, 1), jnp.int32)
    thr = jax.lax.fori_loop(0, 31, bs_step, lo)

    m_gt = gi > thr
    n_gt = jnp.sum(m_gt.astype(jnp.int32), axis=1, keepdims=True)
    r = k - n_gt
    m_eq = gi == thr
    c = m_eq.astype(jnp.int32)
    s = 1
    while s < T:
        c = c + jnp.concatenate(
            [jnp.zeros((B, s), jnp.int32), c[:, :-s]], axis=1)
        s *= 2
    mask = m_gt | (m_eq & (c <= r))

    lsel = jnp.sum(jnp.where(mask, logit_ref[...], 0.0))
    loss = (jnp.sum(s1_ref[...]) - lsel) / float(n_tok)
    loss_ref[0, :] = jnp.full((128,), loss)

    mi = mask.astype(jnp.int32)
    pc = mi
    s = 1
    while s < T:
        pc = pc + jnp.concatenate(
            [jnp.zeros((B, s), jnp.int32), pc[:, :-s]], axis=1)
        s *= 2

    PK = 128
    tio = lax.broadcasted_iota(jnp.int32, (1, T), 1)
    rows_idx = []
    rows_g = []
    for b in range(B):
        pcb = pc[b:b + 1, :]
        mb = mask[b:b + 1, :]
        gb = g[b:b + 1, :]
        chunks_i = []
        chunks_g = []
        for c0 in range(0, k, PK):
            prow = lax.broadcasted_iota(jnp.int32, (PK, 1), 0) + (c0 + 1)
            eqm = (pcb == prow) & mb
            chunks_i.append(
                jnp.sum(jnp.where(eqm, tio + b * T, 0), axis=1))
            chunks_g.append(jnp.sum(jnp.where(eqm, gb, 0.0), axis=1))
        rows_idx.append(jnp.concatenate(chunks_i))
        rows_g.append(jnp.concatenate(chunks_g))
    idx_ref[...] = jnp.stack(rows_idx)
    gsel_ref[...] = jnp.stack(rows_g)


def _gather_body(proc_hbm, idx_hbm, sel_hbm, idx_v, rows_v, sem, *, K):
    c = lax.axis_index("c")
    s = lax.axis_index("s")
    bpw = K // 16
    base = c * K + s * bpw
    pltpu.sync_copy(idx_hbm.at[pl.ds(base, bpw)], idx_v)
    pltpu.async_copy(proc_hbm.at[idx_v], rows_v, sem).wait()
    pltpu.sync_copy(rows_v, sel_hbm.at[pl.ds(base, bpw)])


def _scatter_body(proc_hbm, gated_hbm, idx_hbm, final_hbm, idx_v, rows_v,
                  sem, *, T, K):
    c = lax.axis_index("c")
    s = lax.axis_index("s")
    rows_per_tile = T // 16
    row0 = c * T + s * rows_per_tile
    pltpu.sync_copy(proc_hbm.at[pl.ds(row0, rows_per_tile)],
                    final_hbm.at[pl.ds(row0, rows_per_tile)])
    plsc.subcore_barrier()

    bpw = K // 16
    base = c * K + s * bpw
    pltpu.sync_copy(idx_hbm.at[pl.ds(base, bpw)], idx_v)
    pltpu.sync_copy(gated_hbm.at[pl.ds(base, bpw)], rows_v)
    pltpu.async_copy(rows_v, final_hbm.at[idx_v], sem).wait()


def _k4_body(sel_ref, gsel_ref, nw_ref, wg_ref, wu_ref, wd_ref, out_ref):
    p = sel_ref[...]
    h = _rms(p, nw_ref[...])
    hg = jnp.dot(h, wg_ref[...], preferred_element_type=jnp.float32)
    hu = jnp.dot(h, wu_ref[...], preferred_element_type=jnp.float32)
    act = (hg * jax.nn.sigmoid(hg)) * hu
    delta = jnp.dot(act, wd_ref[...], preferred_element_type=jnp.float32)
    out_ref[...] = p + gsel_ref[...].reshape(-1, 1) * delta


def kernel(hidden_states, prior_norm_w, W_mu, W_logvar, dec_norm_w, dec_Wg,
           dec_Wu, dec_Wd, dyn_norm_w, dyn_Wg, dyn_Wu, dyn_Wd, w_cr, b_cr):
    B, T, D = hidden_states.shape
    N = B * T
    BLK = 256
    nblk = N // BLK
    k = max(1, int(T * 0.25))

    x2d = hidden_states.reshape(N, D)
    row = lambda w: w.reshape(1, D)
    wcol = w_cr.reshape(D, 1)
    bcr = jnp.full((1, BLK), b_cr, jnp.float32)

    full = lambda shape: pl.BlockSpec(shape, lambda *_: (0,) * len(shape))
    tokb = pl.BlockSpec((BLK, D), lambda i: (i, 0))
    tpb = T // BLK

    proc, g2, flat_idx, gsel, loss = pl.pallas_call(
        functools.partial(_k12_body, k=k, n_tok=N, nblk=nblk, tpb=tpb),
        grid=(nblk,),
        in_specs=[
            tokb, full((1, D)), full((D, D_FF)), full((D, D_FF)),
            full((D_FF, D)), full((1, D)), full((D, D)), full((D, D)),
            full((D, 1)), full((1, BLK)),
        ],
        out_specs=[
            tokb,
            pl.BlockSpec((1, 1, BLK), lambda i: (i, 0, 0)),
            full((B, k)), full((B, k)), full((1, 128)),
        ],
        out_shape=[
            jax.ShapeDtypeStruct((N, D), jnp.float32),
            jax.ShapeDtypeStruct((nblk, 1, BLK), jnp.float32),
            jax.ShapeDtypeStruct((B, k), jnp.int32),
            jax.ShapeDtypeStruct((B, k), jnp.float32),
            jax.ShapeDtypeStruct((1, 128), jnp.float32),
        ],
        scratch_shapes=[
            pltpu.VMEM((B, T), jnp.float32),
            pltpu.VMEM((B, T), jnp.float32),
            pltpu.VMEM((B, T), jnp.float32),
        ],
        interpret=INTERPRET,
    )(x2d, row(dec_norm_w), dec_Wg, dec_Wu, dec_Wd, row(prior_norm_w), W_mu,
      W_logvar, wcol, bcr)

    g_bt = g2.reshape(B, T)
    flat_idx = flat_idx.reshape(B * k)

    mesh = plsc.VectorSubcoreMesh(core_axis_name="c", subcore_axis_name="s")
    gather_fn = functools.partial(
        pl.kernel,
        out_type=jax.ShapeDtypeStruct((B * k, D), jnp.float32),
        mesh=mesh,
        scratch_types=[
            pltpu.VMEM((k // 16,), jnp.int32),
            pltpu.VMEM((k // 16, D), jnp.float32),
            pltpu.SemaphoreType.DMA,
        ],
    )(functools.partial(_gather_body, K=k))
    sel = gather_fn(proc, flat_idx)

    gated = pl.pallas_call(
        _k4_body,
        grid=(B * k // BLK,),
        in_specs=[
            tokb, pl.BlockSpec((1, 1, BLK), lambda i: (i, 0, 0)), full((1, D)),
            full((D, D_FF)), full((D, D_FF)), full((D_FF, D)),
        ],
        out_specs=tokb,
        out_shape=jax.ShapeDtypeStruct((B * k, D), jnp.float32),
        interpret=INTERPRET,
    )(sel, gsel.reshape(B * k // BLK, 1, BLK), row(dyn_norm_w), dyn_Wg,
      dyn_Wu, dyn_Wd)

    scat_fn = functools.partial(
        pl.kernel,
        out_type=jax.ShapeDtypeStruct((N, D), jnp.float32),
        mesh=mesh,
        scratch_types=[
            pltpu.VMEM((k // 16,), jnp.int32),
            pltpu.VMEM((k // 16, D), jnp.float32),
            pltpu.SemaphoreType.DMA,
        ],
    )(functools.partial(_scatter_body, T=T, K=k))
    final2d = scat_fn(proc, gated, flat_idx)

    return (final2d.reshape(B, T, D), g_bt, loss[0, 0])

# --- scband reference (transcript-rebuilt; emitter-appended) ---
"""Pipeline reference for scband-sdtpair-89739046682765 (READ-ONLY COPY).

The authoritative reference and input builder live on the scoring server;
editing this copy changes nothing except your own understanding.
"""

import jax, jax.numpy as jnp
import numpy as np

HIDDEN = 768
D_FF = 2048
EPS = 1e-06
CAPACITY = 0.25
C_POST = 1.0
BETA_CE = 1.0
BETA_CU = 1.0


def rmsnorm(x, w):
    v = jnp.mean(x * x, axis=-1, keepdims=True)
    return x * jax.lax.rsqrt(v + EPS) * w


def mlp_block(x, nw, wg, wu, wd):
    h = rmsnorm(x, nw)
    return x + (jax.nn.silu(h @ wg) * (h @ wu)) @ wd


def setup_inputs(seed: int = 0):
    key = jax.random.key(seed)
    ks = jax.random.split(key, 16)
    B, T, D = 2, 2048, HIDDEN
    s = 0.02
    return {
        'hidden_states': jax.random.normal(ks[0], (B, T, D), jnp.float32),
        'prior_norm_w': jnp.ones((D,), jnp.float32),
        'W_mu': s * jax.random.normal(ks[1], (D, D), jnp.float32),
        'W_logvar': s * jax.random.normal(ks[2], (D, D), jnp.float32),
        'dec_norm_w': jnp.ones((D,), jnp.float32),
        'dec_Wg': s * jax.random.normal(ks[3], (D, D_FF), jnp.float32),
        'dec_Wu': s * jax.random.normal(ks[4], (D, D_FF), jnp.float32),
        'dec_Wd': s * jax.random.normal(ks[5], (D_FF, D), jnp.float32),
        'dyn_norm_w': jnp.ones((D,), jnp.float32),
        'dyn_Wg': s * jax.random.normal(ks[6], (D, D_FF), jnp.float32),
        'dyn_Wu': s * jax.random.normal(ks[7], (D, D_FF), jnp.float32),
        'dyn_Wd': s * jax.random.normal(ks[8], (D_FF, D), jnp.float32),
        'w_cr': s * jax.random.normal(ks[9], (D,), jnp.float32),
        'b_cr': jnp.zeros((), jnp.float32),
    }


def reference(hidden_states, prior_norm_w, W_mu, W_logvar, dec_norm_w, dec_Wg, dec_Wu, dec_Wd, dyn_norm_w, dyn_Wg, dyn_Wu, dyn_Wd, w_cr, b_cr):
    B, T, D = hidden_states.shape
    # SDTDecisionLayer: dynamic block over all tokens (Qwen2 layer approximated by SwiGLU MLP block)
    processed = mlp_block(hidden_states, dec_norm_w, dec_Wg, dec_Wu, dec_Wd)
    # SDTPriorNetwork: RMSNorm then mu / log_var heads
    xn = rmsnorm(hidden_states, prior_norm_w)
    mu_q = xn @ W_mu
    log_var_q = xn @ W_logvar
    actual_res = processed - hidden_states
    d = float(D)
    # SDTRouter: surprise signals
    D_st = jnp.sum(actual_res ** 2, axis=-1) / d
    var_q = jnp.exp(log_var_q)
    D_ch = 0.5 * jnp.mean(log_var_q - jnp.log(C_POST) + (C_POST + (actual_res - mu_q) ** 2) / var_q - 1.0, axis=-1)
    g_cont = jax.nn.sigmoid(BETA_CE * D_st - BETA_CU * D_ch)
    k = max(1, int(T * CAPACITY))
    # binary targets via router top-k and scatter
    _, topk_idx_r = jax.lax.top_k(g_cont, k)
    binary_targets = jnp.zeros_like(g_cont).at[jnp.arange(B)[:, None], topk_idx_r].set(1.0)
    # UnifiedCausalRouter: linear logits on detached hidden, BCE-with-logits loss
    causal_logits = jax.lax.stop_gradient(hidden_states) @ w_cr + b_cr
    causal_loss = jnp.mean(jnp.maximum(causal_logits, 0.0) - causal_logits * binary_targets + jnp.log1p(jnp.exp(-jnp.abs(causal_logits))))
    # select tokens: topk, sort indices, gather gating scores
    gating_scores, topk_idx = jax.lax.top_k(g_cont, k)
    sort_indices = jnp.argsort(topk_idx, axis=-1)
    topk_idx = jnp.take_along_axis(topk_idx, sort_indices, axis=-1)
    gating_scores = jnp.take_along_axis(gating_scores, sort_indices, axis=-1)
    batch_idx = jnp.repeat(jnp.arange(B), k)
    token_idx = topk_idx.reshape(-1)
    g_sel = gating_scores.reshape(-1)
    # process_selected: gather, process through second dynamic block, soft-gated scatter back
    sel = processed[batch_idx, token_idx]
    out_sel = mlp_block(sel, dyn_norm_w, dyn_Wg, dyn_Wu, dyn_Wd)
    gated = sel + g_sel[:, None] * (out_sel - sel)
    final = processed.at[batch_idx, token_idx].set(gated)
    return (final, g_cont, causal_loss)

if __name__ == "__main__":
    import jax
    _d = setup_inputs()
    print(jax.jit(kernel)(*tuple(_d.values())))

</pallas_src>

<mosaic_0001>
#map = affine_map<(d0, d1) -> (0, 0)>
#map1 = affine_map<(d0, d1) -> (0)>
module attributes {stable_mosaic.version = 14 : i64} {
  func.func @_scatter_body(%arg0: i32, %arg1: i32, %arg2: memref<4096x768xf32, #tpu.memory_space<hbm>>, %arg3: memref<1024x768xf32, #tpu.memory_space<hbm>>, %arg4: memref<1024xi32, #tpu.memory_space<hbm>>, %arg5: memref<4096x768xf32, #tpu.memory_space<hbm>>, %arg6: memref<32xi32, #tpu.memory_space<vmem>>, %arg7: memref<32x768xf32, #tpu.memory_space<vmem>>, %arg8: memref<!tpu.dma_semaphore, #tpu.memory_space<semaphore_mem>>) attributes {dimension_semantics = [#tpu.dimension_semantics<core_parallel>, #tpu.dimension_semantics<subcore_parallel>], iteration_bounds = array<i64: 2, 16>, scalar_prefetch = 0 : i64, scratch_operands = 3 : i64, tpu.core_type = #tpu.core_type<sc_vector_subcore>, window_params = [{transform_indices = #map}, {transform_indices = #map}, {transform_indices = #map1}, {transform_indices = #map}]} {
    %mul3A = arith.constant 2048 : i32
    %mul3A_0 = arith.muli %arg0, %mul3A : i32
    %mul3A_1 = arith.constant 128 : i32
    %mul3A_2 = arith.muli %arg1, %mul3A_1 : i32
    %add3A = arith.addi %mul3A_0, %mul3A_2 : i32
    "tpu.region"() ({
      %run_scoped3A = tpu.sem_alloc : memref<!tpu.dma_semaphore, #tpu.memory_space<semaphore_mem>>
      %dma_start3A_12 = arith.constant 0 : i32
      %dma_start3A_13 = tpu.memref_slice %arg5[%add3A, %dma_start3A_12] : memref<4096x768xf32, #tpu.memory_space<hbm>> -> memref<128x768xf32, #tpu.memory_space<hbm>>
      %dma_start3A_14 = arith.constant 0 : i32
      %dma_start3A_15 = tpu.memref_slice %arg2[%add3A, %dma_start3A_14] : memref<4096x768xf32, #tpu.memory_space<hbm>> -> memref<128x768xf32, #tpu.memory_space<hbm>>
      tpu.enqueue_dma source(%dma_start3A_15 : memref<128x768xf32, #tpu.memory_space<hbm>>) target(%dma_start3A_13 : memref<128x768xf32, #tpu.memory_space<hbm>>) target_semaphore(%run_scoped3A : memref<!tpu.dma_semaphore, #tpu.memory_space<semaphore_mem>>)
      %dma_wait3A_16 = arith.constant 0 : i32
      %dma_wait3A_17 = tpu.memref_slice %arg5[%add3A, %dma_wait3A_16] : memref<4096x768xf32, #tpu.memory_space<hbm>> -> memref<128x768xf32, #tpu.memory_space<hbm>>
      %dma_wait3A_18 = arith.constant 0 : i32
      %dma_wait3A_19 = tpu.memref_slice %arg2[%add3A, %dma_wait3A_18] : memref<4096x768xf32, #tpu.memory_space<hbm>> -> memref<128x768xf32, #tpu.memory_space<hbm>>
      tpu.wait_dma2 semaphore(%run_scoped3A : memref<!tpu.dma_semaphore, #tpu.memory_space<semaphore_mem>>) src(%dma_wait3A_19 : memref<128x768xf32, #tpu.memory_space<hbm>>) dst(%dma_wait3A_17 : memref<128x768xf32, #tpu.memory_space<hbm>>)
      tpu.yield
    }) : () -> ()
    %barrier3A = arith.constant 0 : index
    tpu.barrier barrier_id(%barrier3A)
    %mul3A_3 = arith.constant 512 : i32
    %mul3A_4 = arith.muli %arg0, %mul3A_3 : i32
    %mul3A_5 = arith.constant 32 : i32
    %mul3A_6 = arith.muli %arg1, %mul3A_5 : i32
    %add3A_7 = arith.addi %mul3A_4, %mul3A_6 : i32
    "tpu.region"() ({
      %run_scoped3A = tpu.sem_alloc : memref<!tpu.dma_semaphore, #tpu.memory_space<semaphore_mem>>
      %dma_start3A_12 = tpu.memref_slice %arg4[%add3A_7] : memref<1024xi32, #tpu.memory_space<hbm>> -> memref<32xi32, #tpu.memory_space<hbm>>
      %dma_start3A_13 = tpu.memref_slice %arg4[%add3A_7] : memref<1024xi32, #tpu.memory_space<hbm>> -> memref<32xi32, #tpu.memory_space<hbm>>
      tpu.enqueue_dma source(%dma_start3A_13 : memref<32xi32, #tpu.memory_space<hbm>>) target(%arg6 : memref<32xi32, #tpu.memory_space<vmem>>) target_semaphore(%run_scoped3A : memref<!tpu.dma_semaphore, #tpu.memory_space<semaphore_mem>>)
      %dma_wait3A_14 = tpu.memref_slice %arg4[%add3A_7] : memref<1024xi32, #tpu.memory_space<hbm>> -> memref<32xi32, #tpu.memory_space<hbm>>
      %dma_wait3A_15 = tpu.memref_slice %arg4[%add3A_7] : memref<1024xi32, #tpu.memory_space<hbm>> -> memref<32xi32, #tpu.memory_space<hbm>>
      tpu.wait_dma2 semaphore(%run_scoped3A : memref<!tpu.dma_semaphore, #tpu.memory_space<semaphore_mem>>) src(%dma_wait3A_15 : memref<32xi32, #tpu.memory_space<hbm>>) dst(%arg6 : memref<32xi32, #tpu.memory_space<vmem>>)
      tpu.yield
    }) : () -> ()
    "tpu.region"() ({
      %run_scoped3A = tpu.sem_alloc : memref<!tpu.dma_semaphore, #tpu.memory_space<semaphore_mem>>
      %dma_start3A_12 = arith.constant 0 : i32
      %dma_start3A_13 = tpu.memref_slice %arg3[%add3A_7, %dma_start3A_12] : memref<1024x768xf32, #tpu.memory_space<hbm>> -> memref<32x768xf32, #tpu.memory_space<hbm>>
      %dma_start3A_14 = arith.constant 0 : i32
      %dma_start3A_15 = tpu.memref_slice %arg3[%add3A_7, %dma_start3A_14] : memref<1024x768xf32, #tpu.memory_space<hbm>> -> memref<32x768xf32, #tpu.memory_space<hbm>>
      tpu.enqueue_dma source(%dma_start3A_15 : memref<32x768xf32, #tpu.memory_space<hbm>>) target(%arg7 : memref<32x768xf32, #tpu.memory_space<vmem>>) target_semaphore(%run_scoped3A : memref<!tpu.dma_semaphore, #tpu.memory_space<semaphore_mem>>)
      %dma_wait3A_16 = arith.constant 0 : i32
      %dma_wait3A_17 = tpu.memref_slice %arg3[%add3A_7, %dma_wait3A_16] : memref<1024x768xf32, #tpu.memory_space<hbm>> -> memref<32x768xf32, #tpu.memory_space<hbm>>
      %dma_wait3A_18 = arith.constant 0 : i32
      %dma_wait3A_19 = tpu.memref_slice %arg3[%add3A_7, %dma_wait3A_18] : memref<1024x768xf32, #tpu.memory_space<hbm>> -> memref<32x768xf32, #tpu.memory_space<hbm>>
      tpu.wait_dma2 semaphore(%run_scoped3A : memref<!tpu.dma_semaphore, #tpu.memory_space<semaphore_mem>>) src(%dma_wait3A_19 : memref<32x768xf32, #tpu.memory_space<hbm>>) dst(%arg7 : memref<32x768xf32, #tpu.memory_space<vmem>>)
      tpu.yield
    }) : () -> ()
    %dma_start3A = arith.constant 0 : i32
    %dma_start3A_8 = arith.constant 0 : i32
    %dma_start3A_9 = tpu.memref_slice %arg5[%dma_start3A, %dma_start3A_8] : memref<4096x768xf32, #tpu.memory_space<hbm>> -> memref<4096x768xf32, #tpu.memory_space<hbm>>
    tpu.enqueue_indirect_dma source(%arg7 : memref<32x768xf32, #tpu.memory_space<vmem>>) target(%dma_start3A_9 : memref<4096x768xf32, #tpu.memory_space<hbm>>) offsets(%arg6 : memref<32xi32, #tpu.memory_space<vmem>>) semaphore(%arg8 : memref<!tpu.dma_semaphore, #tpu.memory_space<semaphore_mem>>)
    %dma_wait3A = arith.constant 0 : i32
    %dma_wait3A_10 = arith.constant 0 : i32
    %dma_wait3A_11 = tpu.memref_slice %arg5[%dma_wait3A, %dma_wait3A_10] : memref<4096x768xf32, #tpu.memory_space<hbm>> -> memref<4096x768xf32, #tpu.memory_space<hbm>>
    tpu.wait_indirect_dma semaphore(%arg8 : memref<!tpu.dma_semaphore, #tpu.memory_space<semaphore_mem>>) src(%arg7 : memref<32x768xf32, #tpu.memory_space<vmem>>) dst(%dma_wait3A_11 : memref<4096x768xf32, #tpu.memory_space<hbm>>)
    return
  }
}

#map = affine_map<(d0, d1) -> (0, 0)>
#map1 = affine_map<(d0, d1) -> (0)>
module attributes {stable_mosaic.version = 14 : i64} {
  func.func @_gather_body(%arg0: i32, %arg1: i32, %arg2: memref<4096x768xf32, #tpu.memory_space<hbm>>, %arg3: memref<1024xi32, #tpu.memory_space<hbm>>, %arg4: memref<1024x768xf32, #tpu.memory_space<hbm>>, %arg5: memref<32xi32, #tpu.memory_space<vmem>>, %arg6: memref<32x768xf32, #tpu.memory_space<vmem>>, %arg7: memref<!tpu.dma_semaphore, #tpu.memory_space<semaphore_mem>>) attributes {dimension_semantics = [#tpu.dimension_semantics<core_parallel>, #tpu.dimension_semantics<subcore_parallel>], iteration_bounds = array<i64: 2, 16>, scalar_prefetch = 0 : i64, scratch_operands = 3 : i64, tpu.core_type = #tpu.core_type<sc_vector_subcore>, window_params = [{transform_indices = #map}, {transform_indices = #map1}, {transform_indices = #map}]} {
    %mul3A = arith.constant 512 : i32
    %mul3A_0 = arith.muli %arg0, %mul3A : i32
    %mul3A_1 = arith.constant 32 : i32
    %mul3A_2 = arith.muli %arg1, %mul3A_1 : i32
    %add3A = arith.addi %mul3A_0, %mul3A_2 : i32
    "tpu.region"() ({
      %run_scoped3A = tpu.sem_alloc : memref<!tpu.dma_semaphore, #tpu.memory_space<semaphore_mem>>
      %dma_start3A_7 = tpu.memref_slice %arg3[%add3A] : memref<1024xi32, #tpu.memory_space<hbm>> -> memref<32xi32, #tpu.memory_space<hbm>>
      %dma_start3A_8 = tpu.memref_slice %arg3[%add3A] : memref<1024xi32, #tpu.memory_space<hbm>> -> memref<32xi32, #tpu.memory_space<hbm>>
      tpu.enqueue_dma source(%dma_start3A_8 : memref<32xi32, #tpu.memory_space<hbm>>) target(%arg5 : memref<32xi32, #tpu.memory_space<vmem>>) target_semaphore(%run_scoped3A : memref<!tpu.dma_semaphore, #tpu.memory_space<semaphore_mem>>)
      %dma_wait3A_9 = tpu.memref_slice %arg3[%add3A] : memref<1024xi32, #tpu.memory_space<hbm>> -> memref<32xi32, #tpu.memory_space<hbm>>
      %dma_wait3A_10 = tpu.memref_slice %arg3[%add3A] : memref<1024xi32, #tpu.memory_space<hbm>> -> memref<32xi32, #tpu.memory_space<hbm>>
      tpu.wait_dma2 semaphore(%run_scoped3A : memref<!tpu.dma_semaphore, #tpu.memory_space<semaphore_mem>>) src(%dma_wait3A_10 : memref<32xi32, #tpu.memory_space<hbm>>) dst(%arg5 : memref<32xi32, #tpu.memory_space<vmem>>)
      tpu.yield
    }) : () -> ()
    %dma_start3A = arith.constant 0 : i32
    %dma_start3A_3 = arith.constant 0 : i32
    %dma_start3A_4 = tpu.memref_slice %arg2[%dma_start3A, %dma_start3A_3] : memref<4096x768xf32, #tpu.memory_space<hbm>> -> memref<4096x768xf32, #tpu.memory_space<hbm>>
    tpu.enqueue_indirect_dma source(%dma_start3A_4 : memref<4096x768xf32, #tpu.memory_space<hbm>>) target(%arg6 : memref<32x768xf32, #tpu.memory_space<vmem>>) offsets(%arg5 : memref<32xi32, #tpu.memory_space<vmem>>) semaphore(%arg7 : memref<!tpu.dma_semaphore, #tpu.memory_space<semaphore_mem>>)
    %dma_wait3A = arith.constant 0 : i32
    %dma_wait3A_5 = arith.constant 0 : i32
    %dma_wait3A_6 = tpu.memref_slice %arg2[%dma_wait3A, %dma_wait3A_5] : memref<4096x768xf32, #tpu.memory_space<hbm>> -> memref<4096x768xf32, #tpu.memory_space<hbm>>
    tpu.wait_indirect_dma semaphore(%arg7 : memref<!tpu.dma_semaphore, #tpu.memory_space<semaphore_mem>>) src(%dma_wait3A_6 : memref<4096x768xf32, #tpu.memory_space<hbm>>) dst(%arg6 : memref<32x768xf32, #tpu.memory_space<vmem>>)
    "tpu.region"() ({
      %run_scoped3A = tpu.sem_alloc : memref<!tpu.dma_semaphore, #tpu.memory_space<semaphore_mem>>
      %dma_start3A_7 = arith.constant 0 : i32
      %dma_start3A_8 = tpu.memref_slice %arg4[%add3A, %dma_start3A_7] : memref<1024x768xf32, #tpu.memory_space<hbm>> -> memref<32x768xf32, #tpu.memory_space<hbm>>
      %dma_start3A_9 = arith.constant 0 : i32
      %dma_start3A_10 = tpu.memref_slice %arg4[%add3A, %dma_start3A_9] : memref<1024x768xf32, #tpu.memory_space<hbm>> -> memref<32x768xf32, #tpu.memory_space<hbm>>
      tpu.enqueue_dma source(%arg6 : memref<32x768xf32, #tpu.memory_space<vmem>>) target(%dma_start3A_10 : memref<32x768xf32, #tpu.memory_space<hbm>>) target_semaphore(%run_scoped3A : memref<!tpu.dma_semaphore, #tpu.memory_space<semaphore_mem>>)
      %dma_wait3A_11 = arith.constant 0 : i32
      %dma_wait3A_12 = tpu.memref_slice %arg4[%add3A, %dma_wait3A_11] : memref<1024x768xf32, #tpu.memory_space<hbm>> -> memref<32x768xf32, #tpu.memory_space<hbm>>
      %dma_wait3A_13 = arith.constant 0 : i32
      %dma_wait3A_14 = tpu.memref_slice %arg4[%add3A, %dma_wait3A_13] : memref<1024x768xf32, #tpu.memory_space<hbm>> -> memref<32x768xf32, #tpu.memory_space<hbm>>
      tpu.wait_dma2 semaphore(%run_scoped3A : memref<!tpu.dma_semaphore, #tpu.memory_space<semaphore_mem>>) src(%arg6 : memref<32x768xf32, #tpu.memory_space<vmem>>) dst(%dma_wait3A_14 : memref<32x768xf32, #tpu.memory_space<hbm>>)
      tpu.yield
    }) : () -> ()
    return
  }
}

module attributes {stable_mosaic.version = 14 : i64} {
  func.func @_k12_body(%arg0: i32, %arg1: memref<256x768xf32, #tpu.memory_space<vmem>>, %arg2: memref<1x768xf32, #tpu.memory_space<vmem>>, %arg3: memref<768x2048xf32, #tpu.memory_space<vmem>>, %arg4: memref<768x2048xf32, #tpu.memory_space<vmem>>, %arg5: memref<2048x768xf32, #tpu.memory_space<vmem>>, %arg6: memref<1x768xf32, #tpu.memory_space<vmem>>, %arg7: memref<768x768xf32, #tpu.memory_space<vmem>>, %arg8: memref<768x768xf32, #tpu.memory_space<vmem>>, %arg9: memref<768x1xf32, #tpu.memory_space<vmem>>, %arg10: memref<1x256xf32, #tpu.memory_space<vmem>>, %arg11: memref<256x768xf32, #tpu.memory_space<vmem>>, %arg12: memref<1x1x256xf32, #tpu.memory_space<vmem>>, %arg13: memref<2x512xi32, #tpu.memory_space<vmem>>, %arg14: memref<2x512xf32, #tpu.memory_space<vmem>>, %arg15: memref<1x128xf32, #tpu.memory_space<vmem>>, %arg16: memref<2x2048xf32, #tpu.memory_space<vmem>>, %arg17: memref<2x2048xf32, #tpu.memory_space<vmem>>, %arg18: memref<2x2048xf32, #tpu.memory_space<vmem>>) attributes {dimension_semantics = [#tpu.dimension_semantics<arbitrary>], iteration_bounds = array<i64: 16>, scalar_prefetch = 0 : i64, scratch_operands = 3 : i64, tpu.core_type = #tpu.core_type<tc>, window_params = [{transform_indices = @transform_0, window_bounds = array<i64: 256, 768>}, {pipeline_mode = #tpu.pipeline_mode<synchronous>, transform_indices = @transform_1, window_bounds = array<i64: 1, 768>}, {pipeline_mode = #tpu.pipeline_mode<synchronous>, transform_indices = @transform_2, window_bounds = array<i64: 768, 2048>}, {pipeline_mode = #tpu.pipeline_mode<synchronous>, transform_indices = @transform_3, window_bounds = array<i64: 768, 2048>}, {pipeline_mode = #tpu.pipeline_mode<synchronous>, transform_indices = @transform_4, window_bounds = array<i64: 2048, 768>}, {pipeline_mode = #tpu.pipeline_mode<synchronous>, transform_indices = @transform_5, window_bounds = array<i64: 1, 768>}, {pipeline_mode = #tpu.pipeline_mode<synchronous>, transform_indices = @transform_6, window_bounds = array<i64: 768, 768>}, {pipeline_mode = #tpu.pipeline_mode<synchronous>, transform_indices = @transform_7, window_bounds = array<i64: 768, 768>}, {pipeline_mode = #tpu.pipeline_mode<synchronous>, transform_indices = @transform_8, window_bounds = array<i64: 768, 1>}, {pipeline_mode = #tpu.pipeline_mode<synchronous>, transform_indices = @transform_9, window_bounds = array<i64: 1, 256>}, {transform_indices = @transform_10, window_bounds = array<i64: 256, 768>}, {transform_indices = @transform_11, window_bounds = array<i64: 1, 1, 256>}, {pipeline_mode = #tpu.pipeline_mode<synchronous>, transform_indices = @transform_12, window_bounds = array<i64: 2, 512>}, {pipeline_mode = #tpu.pipeline_mode<synchronous>, transform_indices = @transform_13, window_bounds = array<i64: 2, 512>}, {pipeline_mode = #tpu.pipeline_mode<synchronous>, transform_indices = @transform_14, window_bounds = array<i64: 1, 128>}]} {
    %get3A = arith.constant 0 : index
    %get3A_0 = arith.constant 0 : index
    %get3A_1 = vector.load %arg1[%get3A, %get3A_0] : memref<256x768xf32, #tpu.memory_space<vmem>>, vector<256x768xf32>
    %get3A_2 = arith.constant 0 : index
    %get3A_3 = arith.constant 0 : index
    %get3A_4 = vector.load %arg2[%get3A_2, %get3A_3] : memref<1x768xf32, #tpu.memory_space<vmem>>, vector<1x768xf32>
    %mul3A = arith.mulf %get3A_1, %get3A_1 : vector<256x768xf32>
    %reduce_sum3A = arith.constant dense<0.000000e+00> : vector<256xf32>
    %reduce_sum3A_5 = vector.multi_reduction <add>, %mul3A, %reduce_sum3A [1] : vector<256x768xf32> to vector<256xf32>
    %broadcast_in_dim3A = vector.shape_cast %reduce_sum3A_5 : vector<256xf32> to vector<256x1xf32>
    %div3A = arith.constant 7.680000e+02 : f32
    %div3A_6 = vector.broadcast %div3A : f32 to vector<256x1xf32>
    %div3A_7 = arith.divf %broadcast_in_dim3A, %div3A_6 : vector<256x1xf32>
    %add3A = arith.constant 9.99999997E-7 : f32
    %add3A_8 = vector.broadcast %add3A : f32 to vector<256x1xf32>
    %add3A_9 = arith.addf %div3A_7, %add3A_8 : vector<256x1xf32>
    %rsqrt3A = math.rsqrt %add3A_9 : vector<256x1xf32>
    %mul3A_10 = vector.broadcast %rsqrt3A : vector<256x1xf32> to vector<256x768xf32>
    %mul3A_11 = arith.mulf %get3A_1, %mul3A_10 : vector<256x768xf32>
    %mul3A_12 = vector.broadcast %get3A_4 : vector<1x768xf32> to vector<256x768xf32>
    %mul3A_13 = arith.mulf %mul3A_11, %mul3A_12 : vector<256x768xf32>
    %get3A_14 = arith.constant 0 : index
    %get3A_15 = arith.constant 0 : index
    %get3A_16 = vector.load %arg3[%get3A_14, %get3A_15] : memref<768x2048xf32, #tpu.memory_space<vmem>>, vector<768x2048xf32>
    %dot_general3A = arith.constant dense<0.000000e+00> : vector<256x2048xf32>
    %dot_general3A_17 = tpu.matmul %mul3A_13, %get3A_16, %dot_general3A {dimension_numbers = #tpu.dot_dimension_numbers<[1], [0], [0], [1], [0, 0, 1, 1], [], []>, transpose_lhs_hint = false} : vector<256x768xf32>, vector<768x2048xf32>, vector<256x2048xf32> -> vector<256x2048xf32>
    %get3A_18 = arith.constant 0 : index
    %get3A_19 = arith.constant 0 : index
    %get3A_20 = vector.load %arg4[%get3A_18, %get3A_19] : memref<768x2048xf32, #tpu.memory_space<vmem>>, vector<768x2048xf32>
    %dot_general3A_21 = arith.constant dense<0.000000e+00> : vector<256x2048xf32>
    %dot_general3A_22 = tpu.matmul %mul3A_13, %get3A_20, %dot_general3A_21 {dimension_numbers = #tpu.dot_dimension_numbers<[1], [0], [0], [1], [0, 0, 1, 1], [], []>, transpose_lhs_hint = false} : vector<256x768xf32>, vector<768x2048xf32>, vector<256x2048xf32> -> vector<256x2048xf32>
    %logistic3A = arith.negf %dot_general3A_17 : vector<256x2048xf32>
    %logistic3A_23 = math.exp %logistic3A : vector<256x2048xf32>
    %logistic3A_24 = arith.constant 1.000000e+00 : f32
    %logistic3A_25 = vector.broadcast %logistic3A_24 : f32 to vector<256x2048xf32>
    %logistic3A_26 = arith.addf %logistic3A_25, %logistic3A_23 : vector<256x2048xf32>
    %logistic3A_27 = arith.divf %logistic3A_25, %logistic3A_26 : vector<256x2048xf32>
    %mul3A_28 = arith.mulf %dot_general3A_17, %logistic3A_27 : vector<256x2048xf32>
    %mul3A_29 = arith.mulf %mul3A_28, %dot_general3A_22 : vector<256x2048xf32>
    %get3A_30 = arith.constant 0 : index
    %get3A_31 = arith.constant 0 : index
    %get3A_32 = vector.load %arg5[%get3A_30, %get3A_31] : memref<2048x768xf32, #tpu.memory_space<vmem>>, vector<2048x768xf32>
    %dot_general3A_33 = arith.constant dense<0.000000e+00> : vector<256x768xf32>
    %dot_general3A_34 = tpu.matmul %mul3A_29, %get3A_32, %dot_general3A_33 {dimension_numbers = #tpu.dot_dimension_numbers<[1], [0], [0], [1], [0, 0, 1, 1], [], []>, transpose_lhs_hint = false} : vector<256x2048xf32>, vector<2048x768xf32>, vector<256x768xf32> -> vector<256x768xf32>
    %add3A_35 = arith.addf %get3A_1, %dot_general3A_34 : vector<256x768xf32>
    %swap3A = arith.constant 0 : index
    %swap3A_36 = arith.constant 0 : index
    %swap3A_37 = vector.load %arg11[%swap3A, %swap3A_36] : memref<256x768xf32, #tpu.memory_space<vmem>>, vector<256x768xf32>
    tpu.vector_store %arg11[%swap3A, %swap3A_36], %add3A_35 {strides = array<i32>} : memref<256x768xf32, #tpu.memory_space<vmem>>, vector<256x768xf32>,
    %get3A_38 = arith.constant 0 : index
    %get3A_39 = arith.constant 0 : index
    %get3A_40 = vector.load %arg6[%get3A_38, %get3A_39] : memref<1x768xf32, #tpu.memory_space<vmem>>, vector<1x768xf32>
    %mul3A_41 = arith.mulf %get3A_1, %get3A_1 : vector<256x768xf32>
    %reduce_sum3A_42 = arith.constant dense<0.000000e+00> : vector<256xf32>
    %reduce_sum3A_43 = vector.multi_reduction <add>, %mul3A_41, %reduce_sum3A_42 [1] : vector<256x768xf32> to vector<256xf32>
    %broadcast_in_dim3A_44 = vector.shape_cast %reduce_sum3A_43 : vector<256xf32> to vector<256x1xf32>
    %div3A_45 = arith.constant 7.680000e+02 : f32
    %div3A_46 = vector.broadcast %div3A_45 : f32 to vector<256x1xf32>
    %div3A_47 = arith.divf %broadcast_in_dim3A_44, %div3A_46 : vector<256x1xf32>
    %add3A_48 = arith.constant 9.99999997E-7 : f32
    %add3A_49 = vector.broadcast %add3A_48 : f32 to vector<256x1xf32>
    %add3A_50 = arith.addf %div3A_47, %add3A_49 : vector<256x1xf32>
    %rsqrt3A_51 = math.rsqrt %add3A_50 : vector<256x1xf32>
    %mul3A_52 = vector.broadcast %rsqrt3A_51 : vector<256x1xf32> to vector<256x768xf32>
    %mul3A_53 = arith.mulf %get3A_1, %mul3A_52 : vector<256x768xf32>
    %mul3A_54 = vector.broadcast %get3A_40 : vector<1x768xf32> to vector<256x768xf32>
    %mul3A_55 = arith.mulf %mul3A_53, %mul3A_54 : vector<256x768xf32>
    %get3A_56 = arith.constant 0 : index
    %get3A_57 = arith.constant 0 : index
    %get3A_58 = vector.load %arg7[%get3A_56, %get3A_57] : memref<768x768xf32, #tpu.memory_space<vmem>>, vector<768x768xf32>
    %dot_general3A_59 = arith.constant dense<0.000000e+00> : vector<256x768xf32>
    %dot_general3A_60 = tpu.matmul %mul3A_55, %get3A_58, %dot_general3A_59 {dimension_numbers = #tpu.dot_dimension_numbers<[1], [0], [0], [1], [0, 0, 1, 1], [], []>, transpose_lhs_hint = false} : vector<256x768xf32>, vector<768x768xf32>, vector<256x768xf32> -> vector<256x768xf32>
    %get3A_61 = arith.constant 0 : index
    %get3A_62 = arith.constant 0 : index
    %get3A_63 = vector.load %arg8[%get3A_61, %get3A_62] : memref<768x768xf32, #tpu.memory_space<vmem>>, vector<768x768xf32>
    %dot_general3A_64 = arith.constant dense<0.000000e+00> : vector<256x768xf32>
    %dot_general3A_65 = tpu.matmul %mul3A_55, %get3A_63, %dot_general3A_64 {dimension_numbers = #tpu.dot_dimension_numbers<[1], [0], [0], [1], [0, 0, 1, 1], [], []>, transpose_lhs_hint = false} : vector<256x768xf32>, vector<768x768xf32>, vector<256x768xf32> -> vector<256x768xf32>
    %mul3A_66 = arith.mulf %dot_general3A_34, %dot_general3A_34 : vector<256x768xf32>
    %reduce_sum3A_67 = arith.constant dense<0.000000e+00> : vector<256xf32>
    %reduce_sum3A_68 = vector.multi_reduction <add>, %mul3A_66, %reduce_sum3A_67 [1] : vector<256x768xf32> to vector<256xf32>
    %div3A_69 = arith.constant 7.680000e+02 : f32
    %div3A_70 = vector.broadcast %div3A_69 : f32 to vector<256xf32>
    %div3A_71 = arith.divf %reduce_sum3A_68, %div3A_70 : vector<256xf32>
    %sub3A = arith.subf %dot_general3A_34, %dot_general3A_60 : vector<256x768xf32>
    %integer_pow3A = arith.mulf %sub3A, %sub3A : vector<256x768xf32>
    %add3A_72 = arith.constant 1.000000e+00 : f32
    %add3A_73 = vector.broadcast %add3A_72 : f32 to vector<256x768xf32>
    %add3A_74 = arith.addf %add3A_73, %integer_pow3A : vector<256x768xf32>
    %neg3A = arith.constant 0.000000e+00 : f32
    %neg3A_75 = vector.broadcast %neg3A : f32 to vector<256x768xf32>
    %neg3A_76 = arith.subf %neg3A_75, %dot_general3A_65 : vector<256x768xf32>
    %exp3A = math.exp %neg3A_76 : vector<256x768xf32>
    %mul3A_77 = arith.mulf %add3A_74, %exp3A : vector<256x768xf32>
    %add3A_78 = arith.addf %dot_general3A_65, %mul3A_77 : vector<256x768xf32>
    %sub3A_79 = arith.constant 1.000000e+00 : f32
    %sub3A_80 = vector.broadcast %sub3A_79 : f32 to vector<256x768xf32>
    %sub3A_81 = arith.subf %add3A_78, %sub3A_80 : vector<256x768xf32>
    %reduce_sum3A_82 = arith.constant dense<0.000000e+00> : vector<256xf32>
    %reduce_sum3A_83 = vector.multi_reduction <add>, %sub3A_81, %reduce_sum3A_82 [1] : vector<256x768xf32> to vector<256xf32>
    %div3A_84 = arith.constant 7.680000e+02 : f32
    %div3A_85 = vector.broadcast %div3A_84 : f32 to vector<256xf32>
    %div3A_86 = arith.divf %reduce_sum3A_83, %div3A_85 : vector<256xf32>
    %mul3A_87 = arith.constant 5.000000e-01 : f32
    %mul3A_88 = vector.broadcast %mul3A_87 : f32 to vector<256xf32>
    %mul3A_89 = arith.mulf %mul3A_88, %div3A_86 : vector<256xf32>
    %sub3A_90 = arith.subf %div3A_71, %mul3A_89 : vector<256xf32>
    %logistic3A_91 = arith.negf %sub3A_90 : vector<256xf32>
    %logistic3A_92 = math.exp %logistic3A_91 : vector<256xf32>
    %logistic3A_93 = arith.constant 1.000000e+00 : f32
    %logistic3A_94 = vector.broadcast %logistic3A_93 : f32 to vector<256xf32>
    %logistic3A_95 = arith.addf %logistic3A_94, %logistic3A_92 : vector<256xf32>
    %logistic3A_96 = arith.divf %logistic3A_94, %logistic3A_95 : vector<256xf32>
    %swap3A_97 = arith.constant 0 : index
    %swap3A_98 = arith.constant 0 : index
    %swap3A_99 = arith.constant 0 : index
    %swap3A_100 = vector.load %arg12[%swap3A_97, %swap3A_98, %swap3A_99] : memref<1x1x256xf32, #tpu.memory_space<vmem>>, vector<1x1x256xf32>
    %swap3A_101 = vector.shape_cast %swap3A_100 : vector<1x1x256xf32> to vector<256xf32>
    %swap3A_102 = vector.shape_cast %logistic3A_96 : vector<256xf32> to vector<1x1x256xf32>
    tpu.vector_store %arg12[%swap3A_97, %swap3A_98, %swap3A_99], %swap3A_102 {strides = array<i32>} : memref<1x1x256xf32, #tpu.memory_space<vmem>>, vector<1x1x256xf32>,
    %get3A_103 = arith.constant 0 : index
    %get3A_104 = arith.constant 0 : index
    %get3A_105 = vector.load %arg9[%get3A_103, %get3A_104] : memref<768x1xf32, #tpu.memory_space<vmem>>, vector<768x1xf32>
    %dot_general3A_106 = arith.constant dense<0.000000e+00> : vector<256x1xf32>
    %dot_general3A_107 = tpu.matmul %get3A_1, %get3A_105, %dot_general3A_106 {dimension_numbers = #tpu.dot_dimension_numbers<[1], [0], [0], [1], [0, 0, 1, 1], [], []>, transpose_lhs_hint = false} : vector<256x768xf32>, vector<768x1xf32>, vector<256x1xf32> -> vector<256x1xf32>
    %squeeze3A = vector.shape_cast %dot_general3A_107 : vector<256x1xf32> to vector<256xf32>
    %get3A_108 = arith.constant 0 : index
    %get3A_109 = arith.constant 0 : index
    %get3A_110 = vector.load %arg10[%get3A_108, %get3A_109] : memref<1x256xf32, #tpu.memory_space<vmem>>, vector<1x256xf32>
    %get3A_111 = vector.shape_cast %get3A_110 : vector<1x256xf32> to vector<256xf32>
    %add3A_112 = arith.addf %squeeze3A, %get3A_111 : vector<256xf32>
    %max3A = arith.constant 0.000000e+00 : f32
    %max3A_113 = vector.broadcast %max3A : f32 to vector<256xf32>
    %max3A_114 = arith.maximumf %add3A_112, %max3A_113 : vector<256xf32>
    %abs3A = math.absf %add3A_112 : vector<256xf32>
    %neg3A_115 = arith.constant 0.000000e+00 : f32
    %neg3A_116 = vector.broadcast %neg3A_115 : f32 to vector<256xf32>
    %neg3A_117 = arith.subf %neg3A_116, %abs3A : vector<256xf32>
    %exp3A_118 = math.exp %neg3A_117 : vector<256xf32>
    %log1p3A = math.log1p %exp3A_118 : vector<256xf32>
    %add3A_119 = arith.addf %max3A_114, %log1p3A : vector<256xf32>
    %jit3A = arith.constant 8 : i32
    %div3A_120 = arith.divsi %arg0, %jit3A : i32
    %sign3A = arith.constant 0 : i32
    %sign3A_121 = arith.cmpi sgt, %arg0, %sign3A : i32
    %sign3A_122 = arith.extui %sign3A_121 : i1 to i32
    %sign3A_123 = arith.constant 0 : i32
    %sign3A_124 = arith.cmpi slt, %arg0, %sign3A_123 : i32
    %sign3A_125 = arith.extui %sign3A_124 : i1 to i32
    %sign3A_126 = arith.subi %sign3A_122, %sign3A_125 : i32
    %sign3A_127 = arith.constant 0 : i32
    %sign3A_128 = arith.cmpi sgt, %jit3A, %sign3A_127 : i32
    %sign3A_129 = arith.extui %sign3A_128 : i1 to i32
    %sign3A_130 = arith.constant 0 : i32
    %sign3A_131 = arith.cmpi slt, %jit3A, %sign3A_130 : i32
    %sign3A_132 = arith.extui %sign3A_131 : i1 to i32
    %sign3A_133 = arith.subi %sign3A_129, %sign3A_132 : i32
    %ne3A = arith.cmpi ne, %sign3A_126, %sign3A_133 : i32
    %rem3A = arith.remsi %arg0, %jit3A : i32
    %ne3A_134 = arith.constant 0 : i32
    %ne3A_135 = arith.cmpi ne, %rem3A, %ne3A_134 : i32
    %and3A = arith.andi %ne3A, %ne3A_135 : i1
    %sub3A_136 = arith.constant 1 : i32
    %sub3A_137 = arith.subi %div3A_120, %sub3A_136 : i32
    %select_n3A = arith.select %and3A, %sub3A_137, %div3A_120 : i32
    %jit3A_138 = arith.constant 8 : i32
    %eq3A = arith.constant 0 : i32
    %eq3A_139 = arith.cmpi eq, %jit3A_138, %eq3A : i32
    %jit3A_140 = arith.constant 1 : i32
    %select_n3A_141 = arith.select %eq3A_139, %jit3A_140, %jit3A_138 : i32
    %rem3A_142 = arith.remsi %arg0, %select_n3A_141 : i32
    %ne3A_143 = arith.constant 0 : i32
    %ne3A_144 = arith.cmpi ne, %rem3A_142, %ne3A_143 : i32
    %lt3A = arith.constant 0 : i32
    %lt3A_145 = arith.cmpi slt, %rem3A_142, %lt3A : i32
    %lt3A_146 = arith.constant 0 : i32
    %lt3A_147 = arith.cmpi slt, %select_n3A_141, %lt3A_146 : i32
    %ne3A_148 = arith.xori %lt3A_145, %lt3A_147 : i1
    %and3A_149 = arith.andi %ne3A_148, %ne3A_144 : i1
    %add3A_150 = arith.addi %rem3A_142, %select_n3A_141 : i32
    %select_n3A_151 = arith.select %and3A_149, %add3A_150, %rem3A_142 : i32
    %mul3A_152 = arith.constant 256 : i32
    %mul3A_153 = arith.muli %select_n3A_151, %mul3A_152 : i32
    %reshape3A = vector.shape_cast %logistic3A_96 : vector<256xf32> to vector<1x256xf32>
    %swap3A_154 = arith.index_cast %select_n3A : i32 to index
    %swap3A_155 = arith.index_cast %mul3A_153 : i32 to index
    %swap3A_156 = vector.load %arg16[%swap3A_154, %swap3A_155] : memref<2x2048xf32, #tpu.memory_space<vmem>>, vector<1x256xf32>
    tpu.vector_store %arg16[%swap3A_154, %swap3A_155], %reshape3A {strides = array<i32>} : memref<2x2048xf32, #tpu.memory_space<vmem>>, vector<1x256xf32>,
    %reshape3A_157 = vector.shape_cast %add3A_112 : vector<256xf32> to vector<1x256xf32>
    %swap3A_158 = arith.index_cast %select_n3A : i32 to index
    %swap3A_159 = arith.index_cast %mul3A_153 : i32 to index
    %swap3A_160 = vector.load %arg17[%swap3A_158, %swap3A_159] : memref<2x2048xf32, #tpu.memory_space<vmem>>, vector<1x256xf32>
    tpu.vector_store %arg17[%swap3A_158, %swap3A_159], %reshape3A_157 {strides = array<i32>} : memref<2x2048xf32, #tpu.memory_space<vmem>>, vector<1x256xf32>,
    %reshape3A_161 = vector.shape_cast %add3A_119 : vector<256xf32> to vector<1x256xf32>
    %swap3A_162 = arith.index_cast %select_n3A : i32 to index
    %swap3A_163 = arith.index_cast %mul3A_153 : i32 to index
    %swap3A_164 = vector.load %arg18[%swap3A_162, %swap3A_163] : memref<2x2048xf32, #tpu.memory_space<vmem>>, vector<1x256xf32>
    tpu.vector_store %arg18[%swap3A_162, %swap3A_163], %reshape3A_161 {strides = array<i32>} : memref<2x2048xf32, #tpu.memory_space<vmem>>, vector<1x256xf32>,
    %eq3A_165 = arith.constant 15 : i32
    %eq3A_166 = arith.cmpi eq, %arg0, %eq3A_165 : i32
    %convert_element_type3A = arith.extui %eq3A_166 : i1 to i32
    %cond3A = arith.constant 0 : i32
    %cond3A_167 = arith.cmpi ne, %convert_element_type3A, %cond3A : i32
    scf.if %cond3A_167 {
      %get3A_168 = arith.constant 0 : index
      %get3A_169 = arith.constant 0 : index
      %get3A_170 = vector.load %arg16[%get3A_168, %get3A_169] : memref<2x2048xf32, #tpu.memory_space<vmem>>, vector<2x2048xf32>
      %bitcast_convert_type3A = tpu.bitcast %get3A_170 : vector<2x2048xf32> -> vector<2x2048xi32>
      %broadcast_in_dim3A_171 = arith.constant 0 : i32
      %broadcast_in_dim3A_172 = vector.broadcast %broadcast_in_dim3A_171 : i32 to vector<2x1xi32>
      %scan3A = arith.constant 0 : i32
      %scan3A_173 = arith.constant 31 : i32
      %scan3A_174 = arith.addi %scan3A, %scan3A_173 : i32
      %scan3A_175 = arith.constant 1 : i32
      %scan3A_176 = scf.for %scan3A_557 = %scan3A to %scan3A_174 step %scan3A_175 iter_args(%scan3A_558 = %broadcast_in_dim3A_172) -> (vector<2x1xi32>)  : i32 {
        %sub3A_559 = arith.constant 30 : i32
        %sub3A_560 = arith.subi %sub3A_559, %scan3A_557 : i32
        %shift_left3A = arith.constant 1 : i32
        %shift_left3A_561 = arith.shli %shift_left3A, %sub3A_560 : i32
        %or3A_562 = vector.broadcast %shift_left3A_561 : i32 to vector<2x1xi32>
        %or3A_563 = arith.ori %scan3A_558, %or3A_562 : vector<2x1xi32>
        %ge3A = vector.broadcast %or3A_563 : vector<2x1xi32> to vector<2x2048xi32>
        %ge3A_564 = arith.cmpi sge, %bitcast_convert_type3A, %ge3A : vector<2x2048xi32>
        %convert_element_type3A_565 = arith.extui %ge3A_564 : vector<2x2048xi1> to vector<2x2048xi32>
        %reduce_sum3A_566 = arith.constant dense<0> : vector<2xi32>
        %reduce_sum3A_567 = vector.multi_reduction <add>, %convert_element_type3A_565, %reduce_sum3A_566 [1] : vector<2x2048xi32> to vector<2xi32>
        %broadcast_in_dim3A_568 = vector.shape_cast %reduce_sum3A_567 : vector<2xi32> to vector<2x1xi32>
        %ge3A_569 = arith.constant 512 : i32
        %ge3A_570 = vector.broadcast %ge3A_569 : i32 to vector<2x1xi32>
        %ge3A_571 = arith.cmpi sge, %broadcast_in_dim3A_568, %ge3A_570 : vector<2x1xi32>
        %select_n3A_572 = arith.select %ge3A_571, %or3A_563, %scan3A_558 : vector<2x1xi1>, vector<2x1xi32>
        scf.yield %select_n3A_572 : vector<2x1xi32>
      }
      %scan3A_177 = arith.constant 31 : i32
      %gt3A = vector.broadcast %scan3A_176 : vector<2x1xi32> to vector<2x2048xi32>
      %gt3A_178 = arith.cmpi sgt, %bitcast_convert_type3A, %gt3A : vector<2x2048xi32>
      %convert_element_type3A_179 = arith.extui %gt3A_178 : vector<2x2048xi1> to vector<2x2048xi32>
      %reduce_sum3A_180 = arith.constant dense<0> : vector<2xi32>
      %reduce_sum3A_181 = vector.multi_reduction <add>, %convert_element_type3A_179, %reduce_sum3A_180 [1] : vector<2x2048xi32> to vector<2xi32>
      %broadcast_in_dim3A_182 = vector.shape_cast %reduce_sum3A_181 : vector<2xi32> to vector<2x1xi32>
      %sub3A_183 = arith.constant 512 : i32
      %sub3A_184 = vector.broadcast %sub3A_183 : i32 to vector<2x1xi32>
      %sub3A_185 = arith.subi %sub3A_184, %broadcast_in_dim3A_182 : vector<2x1xi32>
      %eq3A_186 = vector.broadcast %scan3A_176 : vector<2x1xi32> to vector<2x2048xi32>
      %eq3A_187 = arith.cmpi eq, %bitcast_convert_type3A, %eq3A_186 : vector<2x2048xi32>
      %convert_element_type3A_188 = arith.extui %eq3A_187 : vector<2x2048xi1> to vector<2x2048xi32>
      %broadcast_in_dim3A_189 = arith.constant 0 : i32
      %broadcast_in_dim3A_190 = vector.broadcast %broadcast_in_dim3A_189 : i32 to vector<2x1xi32>
      %slice3A = vector.extract_strided_slice %convert_element_type3A_188 {offsets = [0, 0], sizes = [2, 2047], strides = [1, 1]} : vector<2x2048xi32> to vector<2x2047xi32>
      %concatenate3A = tpu.concatenate %broadcast_in_dim3A_190, %slice3A in 1 : vector<2x1xi32>, vector<2x2047xi32> -> vector<2x2048xi32>
      %add3A_191 = arith.addi %convert_element_type3A_188, %concatenate3A : vector<2x2048xi32>
      %broadcast_in_dim3A_192 = arith.constant 0 : i32
      %broadcast_in_dim3A_193 = vector.broadcast %broadcast_in_dim3A_192 : i32 to vector<2x2xi32>
      %slice3A_194 = vector.extract_strided_slice %add3A_191 {offsets = [0, 0], sizes = [2, 2046], strides = [1, 1]} : vector<2x2048xi32> to vector<2x2046xi32>
      %concatenate3A_195 = tpu.concatenate %broadcast_in_dim3A_193, %slice3A_194 in 1 : vector<2x2xi32>, vector<2x2046xi32> -> vector<2x2048xi32>
      %add3A_196 = arith.addi %add3A_191, %concatenate3A_195 : vector<2x2048xi32>
      %broadcast_in_dim3A_197 = arith.constant 0 : i32
      %broadcast_in_dim3A_198 = vector.broadcast %broadcast_in_dim3A_197 : i32 to vector<2x4xi32>
      %slice3A_199 = vector.extract_strided_slice %add3A_196 {offsets = [0, 0], sizes = [2, 2044], strides = [1, 1]} : vector<2x2048xi32> to vector<2x2044xi32>
      %concatenate3A_200 = tpu.concatenate %broadcast_in_dim3A_198, %slice3A_199 in 1 : vector<2x4xi32>, vector<2x2044xi32> -> vector<2x2048xi32>
      %add3A_201 = arith.addi %add3A_196, %concatenate3A_200 : vector<2x2048xi32>
      %broadcast_in_dim3A_202 = arith.constant 0 : i32
      %broadcast_in_dim3A_203 = vector.broadcast %broadcast_in_dim3A_202 : i32 to vector<2x8xi32>
      %slice3A_204 = vector.extract_strided_slice %add3A_201 {offsets = [0, 0], sizes = [2, 2040], strides = [1, 1]} : vector<2x2048xi32> to vector<2x2040xi32>
      %concatenate3A_205 = tpu.concatenate %broadcast_in_dim3A_203, %slice3A_204 in 1 : vector<2x8xi32>, vector<2x2040xi32> -> vector<2x2048xi32>
      %add3A_206 = arith.addi %add3A_201, %concatenate3A_205 : vector<2x2048xi32>
      %broadcast_in_dim3A_207 = arith.constant 0 : i32
      %broadcast_in_dim3A_208 = vector.broadcast %broadcast_in_dim3A_207 : i32 to vector<2x16xi32>
      %slice3A_209 = vector.extract_strided_slice %add3A_206 {offsets = [0, 0], sizes = [2, 2032], strides = [1, 1]} : vector<2x2048xi32> to vector<2x2032xi32>
      %concatenate3A_210 = tpu.concatenate %broadcast_in_dim3A_208, %slice3A_209 in 1 : vector<2x16xi32>, vector<2x2032xi32> -> vector<2x2048xi32>
      %add3A_211 = arith.addi %add3A_206, %concatenate3A_210 : vector<2x2048xi32>
      %broadcast_in_dim3A_212 = arith.constant 0 : i32
      %broadcast_in_dim3A_213 = vector.broadcast %broadcast_in_dim3A_212 : i32 to vector<2x32xi32>
      %slice3A_214 = vector.extract_strided_slice %add3A_211 {offsets = [0, 0], sizes = [2, 2016], strides = [1, 1]} : vector<2x2048xi32> to vector<2x2016xi32>
      %concatenate3A_215 = tpu.concatenate %broadcast_in_dim3A_213, %slice3A_214 in 1 : vector<2x32xi32>, vector<2x2016xi32> -> vector<2x2048xi32>
      %add3A_216 = arith.addi %add3A_211, %concatenate3A_215 : vector<2x2048xi32>
      %broadcast_in_dim3A_217 = arith.constant 0 : i32
      %broadcast_in_dim3A_218 = vector.broadcast %broadcast_in_dim3A_217 : i32 to vector<2x64xi32>
      %slice3A_219 = vector.extract_strided_slice %add3A_216 {offsets = [0, 0], sizes = [2, 1984], strides = [1, 1]} : vector<2x2048xi32> to vector<2x1984xi32>
      %concatenate3A_220 = tpu.concatenate %broadcast_in_dim3A_218, %slice3A_219 in 1 : vector<2x64xi32>, vector<2x1984xi32> -> vector<2x2048xi32>
      %add3A_221 = arith.addi %add3A_216, %concatenate3A_220 : vector<2x2048xi32>
      %broadcast_in_dim3A_222 = arith.constant 0 : i32
      %broadcast_in_dim3A_223 = vector.broadcast %broadcast_in_dim3A_222 : i32 to vector<2x128xi32>
      %slice3A_224 = vector.extract_strided_slice %add3A_221 {offsets = [0, 0], sizes = [2, 1920], strides = [1, 1]} : vector<2x2048xi32> to vector<2x1920xi32>
      %concatenate3A_225 = tpu.concatenate %broadcast_in_dim3A_223, %slice3A_224 in 1 : vector<2x128xi32>, vector<2x1920xi32> -> vector<2x2048xi32>
      %add3A_226 = arith.addi %add3A_221, %concatenate3A_225 : vector<2x2048xi32>
      %broadcast_in_dim3A_227 = arith.constant 0 : i32
      %broadcast_in_dim3A_228 = vector.broadcast %broadcast_in_dim3A_227 : i32 to vector<2x256xi32>
      %slice3A_229 = vector.extract_strided_slice %add3A_226 {offsets = [0, 0], sizes = [2, 1792], strides = [1, 1]} : vector<2x2048xi32> to vector<2x1792xi32>
      %concatenate3A_230 = tpu.concatenate %broadcast_in_dim3A_228, %slice3A_229 in 1 : vector<2x256xi32>, vector<2x1792xi32> -> vector<2x2048xi32>
      %add3A_231 = arith.addi %add3A_226, %concatenate3A_230 : vector<2x2048xi32>
      %broadcast_in_dim3A_232 = arith.constant 0 : i32
      %broadcast_in_dim3A_233 = vector.broadcast %broadcast_in_dim3A_232 : i32 to vector<2x512xi32>
      %slice3A_234 = vector.extract_strided_slice %add3A_231 {offsets = [0, 0], sizes = [2, 1536], strides = [1, 1]} : vector<2x2048xi32> to vector<2x1536xi32>
      %concatenate3A_235 = tpu.concatenate %broadcast_in_dim3A_233, %slice3A_234 in 1 : vector<2x512xi32>, vector<2x1536xi32> -> vector<2x2048xi32>
      %add3A_236 = arith.addi %add3A_231, %concatenate3A_235 : vector<2x2048xi32>
      %broadcast_in_dim3A_237 = arith.constant 0 : i32
      %broadcast_in_dim3A_238 = vector.broadcast %broadcast_in_dim3A_237 : i32 to vector<2x1024xi32>
      %slice3A_239 = vector.extract_strided_slice %add3A_236 {offsets = [0, 0], sizes = [2, 1024], strides = [1, 1]} : vector<2x2048xi32> to vector<2x1024xi32>
      %concatenate3A_240 = tpu.concatenate %broadcast_in_dim3A_238, %slice3A_239 in 1 : vector<2x1024xi32>, vector<2x1024xi32> -> vector<2x2048xi32>
      %add3A_241 = arith.addi %add3A_236, %concatenate3A_240 : vector<2x2048xi32>
      %le3A = vector.broadcast %sub3A_185 : vector<2x1xi32> to vector<2x2048xi32>
      %le3A_242 = arith.cmpi sle, %add3A_241, %le3A : vector<2x2048xi32>
      %and3A_243 = arith.andi %eq3A_187, %le3A_242 : vector<2x2048xi1>
      %or3A = arith.ori %gt3A_178, %and3A_243 : vector<2x2048xi1>
      %get3A_244 = arith.constant 0 : index
      %get3A_245 = arith.constant 0 : index
      %get3A_246 = vector.load %arg17[%get3A_244, %get3A_245] : memref<2x2048xf32, #tpu.memory_space<vmem>>, vector<2x2048xf32>
      %jit3A_247 = arith.constant 0.000000e+00 : f32
      %broadcast_in_dim3A_248 = vector.broadcast %jit3A_247 : f32 to vector<2x2048xf32>
      %select_n3A_249 = arith.select %or3A, %get3A_246, %broadcast_in_dim3A_248 : vector<2x2048xi1>, vector<2x2048xf32>
      %reduce_sum3A_250 = vector.shape_cast %select_n3A_249 : vector<2x2048xf32> to vector<1x2x2048xf32>
      %reduce_sum3A_251 = arith.constant dense<0.000000e+00> : vector<1xf32>
      %reduce_sum3A_252 = vector.multi_reduction <add>, %reduce_sum3A_250, %reduce_sum3A_251 [1, 2] : vector<1x2x2048xf32> to vector<1xf32>
      %reduce_sum3A_253 = vector.shape_cast %reduce_sum3A_252 : vector<1xf32> to vector<1x1x1xf32>
      %reduce_sum3A_254 = vector.extract %reduce_sum3A_253[0, 0, 0] : f32 from vector<1x1x1xf32>
      %get3A_255 = arith.constant 0 : index
      %get3A_256 = arith.constant 0 : index
      %get3A_257 = vector.load %arg18[%get3A_255, %get3A_256] : memref<2x2048xf32, #tpu.memory_space<vmem>>, vector<2x2048xf32>
      %reduce_sum3A_258 = vector.shape_cast %get3A_257 : vector<2x2048xf32> to vector<1x2x2048xf32>
      %reduce_sum3A_259 = arith.constant dense<0.000000e+00> : vector<1xf32>
      %reduce_sum3A_260 = vector.multi_reduction <add>, %reduce_sum3A_258, %reduce_sum3A_259 [1, 2] : vector<1x2x2048xf32> to vector<1xf32>
      %reduce_sum3A_261 = vector.shape_cast %reduce_sum3A_260 : vector<1xf32> to vector<1x1x1xf32>
      %reduce_sum3A_262 = vector.extract %reduce_sum3A_261[0, 0, 0] : f32 from vector<1x1x1xf32>
      %sub3A_263 = arith.subf %reduce_sum3A_262, %reduce_sum3A_254 : f32
      %div3A_264 = arith.constant 4.096000e+03 : f32
      %div3A_265 = arith.divf %sub3A_263, %div3A_264 : f32
      %broadcast_in_dim3A_266 = vector.broadcast %div3A_265 : f32 to vector<128xf32>
      %swap3A_267 = arith.constant 0 : index
      %swap3A_268 = arith.constant 0 : index
      %swap3A_269 = vector.load %arg15[%swap3A_267, %swap3A_268] : memref<1x128xf32, #tpu.memory_space<vmem>>, vector<1x128xf32>
      %swap3A_270 = vector.shape_cast %swap3A_269 : vector<1x128xf32> to vector<128xf32>
      %swap3A_271 = vector.shape_cast %broadcast_in_dim3A_266 : vector<128xf32> to vector<1x128xf32>
      tpu.vector_store %arg15[%swap3A_267, %swap3A_268], %swap3A_271 {strides = array<i32>} : memref<1x128xf32, #tpu.memory_space<vmem>>, vector<1x128xf32>,
      %convert_element_type3A_272 = arith.extui %or3A : vector<2x2048xi1> to vector<2x2048xi32>
      %broadcast_in_dim3A_273 = arith.constant 0 : i32
      %broadcast_in_dim3A_274 = vector.broadcast %broadcast_in_dim3A_273 : i32 to vector<2x1xi32>
      %slice3A_275 = vector.extract_strided_slice %convert_element_type3A_272 {offsets = [0, 0], sizes = [2, 2047], strides = [1, 1]} : vector<2x2048xi32> to vector<2x2047xi32>
      %concatenate3A_276 = tpu.concatenate %broadcast_in_dim3A_274, %slice3A_275 in 1 : vector<2x1xi32>, vector<2x2047xi32> -> vector<2x2048xi32>
      %add3A_277 = arith.addi %convert_element_type3A_272, %concatenate3A_276 : vector<2x2048xi32>
      %broadcast_in_dim3A_278 = arith.constant 0 : i32
      %broadcast_in_dim3A_279 = vector.broadcast %broadcast_in_dim3A_278 : i32 to vector<2x2xi32>
      %slice3A_280 = vector.extract_strided_slice %add3A_277 {offsets = [0, 0], sizes = [2, 2046], strides = [1, 1]} : vector<2x2048xi32> to vector<2x2046xi32>
      %concatenate3A_281 = tpu.concatenate %broadcast_in_dim3A_279, %slice3A_280 in 1 : vector<2x2xi32>, vector<2x2046xi32> -> vector<2x2048xi32>
      %add3A_282 = arith.addi %add3A_277, %concatenate3A_281 : vector<2x2048xi32>
      %broadcast_in_dim3A_283 = arith.constant 0 : i32
      %broadcast_in_dim3A_284 = vector.broadcast %broadcast_in_dim3A_283 : i32 to vector<2x4xi32>
      %slice3A_285 = vector.extract_strided_slice %add3A_282 {offsets = [0, 0], sizes = [2, 2044], strides = [1, 1]} : vector<2x2048xi32> to vector<2x2044xi32>
      %concatenate3A_286 = tpu.concatenate %broadcast_in_dim3A_284, %slice3A_285 in 1 : vector<2x4xi32>, vector<2x2044xi32> -> vector<2x2048xi32>
      %add3A_287 = arith.addi %add3A_282, %concatenate3A_286 : vector<2x2048xi32>
      %broadcast_in_dim3A_288 = arith.constant 0 : i32
      %broadcast_in_dim3A_289 = vector.broadcast %broadcast_in_dim3A_288 : i32 to vector<2x8xi32>
      %slice3A_290 = vector.extract_strided_slice %add3A_287 {offsets = [0, 0], sizes = [2, 2040], strides = [1, 1]} : vector<2x2048xi32> to vector<2x2040xi32>
      %concatenate3A_291 = tpu.concatenate %broadcast_in_dim3A_289, %slice3A_290 in 1 : vector<2x8xi32>, vector<2x2040xi32> -> vector<2x2048xi32>
      %add3A_292 = arith.addi %add3A_287, %concatenate3A_291 : vector<2x2048xi32>
      %broadcast_in_dim3A_293 = arith.constant 0 : i32
      %broadcast_in_dim3A_294 = vector.broadcast %broadcast_in_dim3A_293 : i32 to vector<2x16xi32>
      %slice3A_295 = vector.extract_strided_slice %add3A_292 {offsets = [0, 0], sizes = [2, 2032], strides = [1, 1]} : vector<2x2048xi32> to vector<2x2032xi32>
      %concatenate3A_296 = tpu.concatenate %broadcast_in_dim3A_294, %slice3A_295 in 1 : vector<2x16xi32>, vector<2x2032xi32> -> vector<2x2048xi32>
      %add3A_297 = arith.addi %add3A_292, %concatenate3A_296 : vector<2x2048xi32>
      %broadcast_in_dim3A_298 = arith.constant 0 : i32
      %broadcast_in_dim3A_299 = vector.broadcast %broadcast_in_dim3A_298 : i32 to vector<2x32xi32>
      %slice3A_300 = vector.extract_strided_slice %add3A_297 {offsets = [0, 0], sizes = [2, 2016], strides = [1, 1]} : vector<2x2048xi32> to vector<2x2016xi32>
      %concatenate3A_301 = tpu.concatenate %broadcast_in_dim3A_299, %slice3A_300 in 1 : vector<2x32xi32>, vector<2x2016xi32> -> vector<2x2048xi32>
      %add3A_302 = arith.addi %add3A_297, %concatenate3A_301 : vector<2x2048xi32>
      %broadcast_in_dim3A_303 = arith.constant 0 : i32
      %broadcast_in_dim3A_304 = vector.broadcast %broadcast_in_dim3A_303 : i32 to vector<2x64xi32>
      %slice3A_305 = vector.extract_strided_slice %add3A_302 {offsets = [0, 0], sizes = [2, 1984], strides = [1, 1]} : vector<2x2048xi32> to vector<2x1984xi32>
      %concatenate3A_306 = tpu.concatenate %broadcast_in_dim3A_304, %slice3A_305 in 1 : vector<2x64xi32>, vector<2x1984xi32> -> vector<2x2048xi32>
      %add3A_307 = arith.addi %add3A_302, %concatenate3A_306 : vector<2x2048xi32>
      %broadcast_in_dim3A_308 = arith.constant 0 : i32
      %broadcast_in_dim3A_309 = vector.broadcast %broadcast_in_dim3A_308 : i32 to vector<2x128xi32>
      %slice3A_310 = vector.extract_strided_slice %add3A_307 {offsets = [0, 0], sizes = [2, 1920], strides = [1, 1]} : vector<2x2048xi32> to vector<2x1920xi32>
      %concatenate3A_311 = tpu.concatenate %broadcast_in_dim3A_309, %slice3A_310 in 1 : vector<2x128xi32>, vector<2x1920xi32> -> vector<2x2048xi32>
      %add3A_312 = arith.addi %add3A_307, %concatenate3A_311 : vector<2x2048xi32>
      %broadcast_in_dim3A_313 = arith.constant 0 : i32
      %broadcast_in_dim3A_314 = vector.broadcast %broadcast_in_dim3A_313 : i32 to vector<2x256xi32>
      %slice3A_315 = vector.extract_strided_slice %add3A_312 {offsets = [0, 0], sizes = [2, 1792], strides = [1, 1]} : vector<2x2048xi32> to vector<2x1792xi32>
      %concatenate3A_316 = tpu.concatenate %broadcast_in_dim3A_314, %slice3A_315 in 1 : vector<2x256xi32>, vector<2x1792xi32> -> vector<2x2048xi32>
      %add3A_317 = arith.addi %add3A_312, %concatenate3A_316 : vector<2x2048xi32>
      %broadcast_in_dim3A_318 = arith.constant 0 : i32
      %broadcast_in_dim3A_319 = vector.broadcast %broadcast_in_dim3A_318 : i32 to vector<2x512xi32>
      %slice3A_320 = vector.extract_strided_slice %add3A_317 {offsets = [0, 0], sizes = [2, 1536], strides = [1, 1]} : vector<2x2048xi32> to vector<2x1536xi32>
      %concatenate3A_321 = tpu.concatenate %broadcast_in_dim3A_319, %slice3A_320 in 1 : vector<2x512xi32>, vector<2x1536xi32> -> vector<2x2048xi32>
      %add3A_322 = arith.addi %add3A_317, %concatenate3A_321 : vector<2x2048xi32>
      %broadcast_in_dim3A_323 = arith.constant 0 : i32
      %broadcast_in_dim3A_324 = vector.broadcast %broadcast_in_dim3A_323 : i32 to vector<2x1024xi32>
      %slice3A_325 = vector.extract_strided_slice %add3A_322 {offsets = [0, 0], sizes = [2, 1024], strides = [1, 1]} : vector<2x2048xi32> to vector<2x1024xi32>
      %concatenate3A_326 = tpu.concatenate %broadcast_in_dim3A_324, %slice3A_325 in 1 : vector<2x1024xi32>, vector<2x1024xi32> -> vector<2x2048xi32>
      %add3A_327 = arith.addi %add3A_322, %concatenate3A_326 : vector<2x2048xi32>
      %iota3A = tpu.iota {dimensions = array<i32: 1>} : vector<1x2048xi32>
      %slice3A_328 = vector.extract_strided_slice %add3A_327 {offsets = [0, 0], sizes = [1, 2048], strides = [1, 1]} : vector<2x2048xi32> to vector<1x2048xi32>
      %slice3A_329 = vector.extract_strided_slice %or3A {offsets = [0, 0], sizes = [1, 2048], strides = [1, 1]} : vector<2x2048xi1> to vector<1x2048xi1>
      %slice3A_330 = vector.extract_strided_slice %get3A_170 {offsets = [0, 0], sizes = [1, 2048], strides = [1, 1]} : vector<2x2048xf32> to vector<1x2048xf32>
      %iota3A_331 = tpu.iota {dimensions = array<i32: 0>} : vector<128x1xi32>
      %add3A_332 = arith.constant 1 : i32
      %add3A_333 = vector.broadcast %add3A_332 : i32 to vector<128x1xi32>
      %add3A_334 = arith.addi %iota3A_331, %add3A_333 : vector<128x1xi32>
      %eq3A_335 = vector.broadcast %slice3A_328 : vector<1x2048xi32> to vector<128x2048xi32>
      %eq3A_336 = vector.broadcast %add3A_334 : vector<128x1xi32> to vector<128x2048xi32>
      %eq3A_337 = arith.cmpi eq, %eq3A_335, %eq3A_336 : vector<128x2048xi32>
      %and3A_338 = vector.broadcast %slice3A_329 : vector<1x2048xi1> to vector<128x2048xi1>
      %and3A_339 = arith.andi %eq3A_337, %and3A_338 : vector<128x2048xi1>
      %add3A_340 = arith.constant 0 : i32
      %add3A_341 = vector.broadcast %add3A_340 : i32 to vector<1x2048xi32>
      %add3A_342 = arith.addi %iota3A, %add3A_341 : vector<1x2048xi32>
      %jit3A_343 = arith.constant 0 : i32
      %broadcast_in_dim3A_344 = vector.shape_cast %add3A_342 : vector<1x2048xi32> to vector<1x2048xi32>
      %broadcast_in_dim3A_345 = vector.broadcast %broadcast_in_dim3A_344 : vector<1x2048xi32> to vector<128x2048xi32>
      %broadcast_in_dim3A_346 = vector.broadcast %jit3A_343 : i32 to vector<128x2048xi32>
      %select_n3A_347 = arith.select %and3A_339, %broadcast_in_dim3A_345, %broadcast_in_dim3A_346 : vector<128x2048xi1>, vector<128x2048xi32>
      %reduce_sum3A_348 = arith.constant dense<0> : vector<128xi32>
      %reduce_sum3A_349 = vector.multi_reduction <add>, %select_n3A_347, %reduce_sum3A_348 [1] : vector<128x2048xi32> to vector<128xi32>
      %jit3A_350 = arith.constant 0.000000e+00 : f32
      %broadcast_in_dim3A_351 = vector.shape_cast %slice3A_330 : vector<1x2048xf32> to vector<1x2048xf32>
      %broadcast_in_dim3A_352 = vector.broadcast %broadcast_in_dim3A_351 : vector<1x2048xf32> to vector<128x2048xf32>
      %broadcast_in_dim3A_353 = vector.broadcast %jit3A_350 : f32 to vector<128x2048xf32>
      %select_n3A_354 = arith.select %and3A_339, %broadcast_in_dim3A_352, %broadcast_in_dim3A_353 : vector<128x2048xi1>, vector<128x2048xf32>
      %reduce_sum3A_355 = arith.constant dense<0.000000e+00> : vector<128xf32>
      %reduce_sum3A_356 = vector.multi_reduction <add>, %select_n3A_354, %reduce_sum3A_355 [1] : vector<128x2048xf32> to vector<128xf32>
      %iota3A_357 = tpu.iota {dimensions = array<i32: 0>} : vector<128x1xi32>
      %add3A_358 = arith.constant 129 : i32
      %add3A_359 = vector.broadcast %add3A_358 : i32 to vector<128x1xi32>
      %add3A_360 = arith.addi %iota3A_357, %add3A_359 : vector<128x1xi32>
      %eq3A_361 = vector.broadcast %slice3A_328 : vector<1x2048xi32> to vector<128x2048xi32>
      %eq3A_362 = vector.broadcast %add3A_360 : vector<128x1xi32> to vector<128x2048xi32>
      %eq3A_363 = arith.cmpi eq, %eq3A_361, %eq3A_362 : vector<128x2048xi32>
      %and3A_364 = vector.broadcast %slice3A_329 : vector<1x2048xi1> to vector<128x2048xi1>
      %and3A_365 = arith.andi %eq3A_363, %and3A_364 : vector<128x2048xi1>
      %add3A_366 = arith.constant 0 : i32
      %add3A_367 = vector.broadcast %add3A_366 : i32 to vector<1x2048xi32>
      %add3A_368 = arith.addi %iota3A, %add3A_367 : vector<1x2048xi32>
      %jit3A_369 = arith.constant 0 : i32
      %broadcast_in_dim3A_370 = vector.shape_cast %add3A_368 : vector<1x2048xi32> to vector<1x2048xi32>
      %broadcast_in_dim3A_371 = vector.broadcast %broadcast_in_dim3A_370 : vector<1x2048xi32> to vector<128x2048xi32>
      %broadcast_in_dim3A_372 = vector.broadcast %jit3A_369 : i32 to vector<128x2048xi32>
      %select_n3A_373 = arith.select %and3A_365, %broadcast_in_dim3A_371, %broadcast_in_dim3A_372 : vector<128x2048xi1>, vector<128x2048xi32>
      %reduce_sum3A_374 = arith.constant dense<0> : vector<128xi32>
      %reduce_sum3A_375 = vector.multi_reduction <add>, %select_n3A_373, %reduce_sum3A_374 [1] : vector<128x2048xi32> to vector<128xi32>
      %jit3A_376 = arith.constant 0.000000e+00 : f32
      %broadcast_in_dim3A_377 = vector.shape_cast %slice3A_330 : vector<1x2048xf32> to vector<1x2048xf32>
      %broadcast_in_dim3A_378 = vector.broadcast %broadcast_in_dim3A_377 : vector<1x2048xf32> to vector<128x2048xf32>
      %broadcast_in_dim3A_379 = vector.broadcast %jit3A_376 : f32 to vector<128x2048xf32>
      %select_n3A_380 = arith.select %and3A_365, %broadcast_in_dim3A_378, %broadcast_in_dim3A_379 : vector<128x2048xi1>, vector<128x2048xf32>
      %reduce_sum3A_381 = arith.constant dense<0.000000e+00> : vector<128xf32>
      %reduce_sum3A_382 = vector.multi_reduction <add>, %select_n3A_380, %reduce_sum3A_381 [1] : vector<128x2048xf32> to vector<128xf32>
      %iota3A_383 = tpu.iota {dimensions = array<i32: 0>} : vector<128x1xi32>
      %add3A_384 = arith.constant 257 : i32
      %add3A_385 = vector.broadcast %add3A_384 : i32 to vector<128x1xi32>
      %add3A_386 = arith.addi %iota3A_383, %add3A_385 : vector<128x1xi32>
      %eq3A_387 = vector.broadcast %slice3A_328 : vector<1x2048xi32> to vector<128x2048xi32>
      %eq3A_388 = vector.broadcast %add3A_386 : vector<128x1xi32> to vector<128x2048xi32>
      %eq3A_389 = arith.cmpi eq, %eq3A_387, %eq3A_388 : vector<128x2048xi32>
      %and3A_390 = vector.broadcast %slice3A_329 : vector<1x2048xi1> to vector<128x2048xi1>
      %and3A_391 = arith.andi %eq3A_389, %and3A_390 : vector<128x2048xi1>
      %add3A_392 = arith.constant 0 : i32
      %add3A_393 = vector.broadcast %add3A_392 : i32 to vector<1x2048xi32>
      %add3A_394 = arith.addi %iota3A, %add3A_393 : vector<1x2048xi32>
      %jit3A_395 = arith.constant 0 : i32
      %broadcast_in_dim3A_396 = vector.shape_cast %add3A_394 : vector<1x2048xi32> to vector<1x2048xi32>
      %broadcast_in_dim3A_397 = vector.broadcast %broadcast_in_dim3A_396 : vector<1x2048xi32> to vector<128x2048xi32>
      %broadcast_in_dim3A_398 = vector.broadcast %jit3A_395 : i32 to vector<128x2048xi32>
      %select_n3A_399 = arith.select %and3A_391, %broadcast_in_dim3A_397, %broadcast_in_dim3A_398 : vector<128x2048xi1>, vector<128x2048xi32>
      %reduce_sum3A_400 = arith.constant dense<0> : vector<128xi32>
      %reduce_sum3A_401 = vector.multi_reduction <add>, %select_n3A_399, %reduce_sum3A_400 [1] : vector<128x2048xi32> to vector<128xi32>
      %jit3A_402 = arith.constant 0.000000e+00 : f32
      %broadcast_in_dim3A_403 = vector.shape_cast %slice3A_330 : vector<1x2048xf32> to vector<1x2048xf32>
      %broadcast_in_dim3A_404 = vector.broadcast %broadcast_in_dim3A_403 : vector<1x2048xf32> to vector<128x2048xf32>
      %broadcast_in_dim3A_405 = vector.broadcast %jit3A_402 : f32 to vector<128x2048xf32>
      %select_n3A_406 = arith.select %and3A_391, %broadcast_in_dim3A_404, %broadcast_in_dim3A_405 : vector<128x2048xi1>, vector<128x2048xf32>
      %reduce_sum3A_407 = arith.constant dense<0.000000e+00> : vector<128xf32>
      %reduce_sum3A_408 = vector.multi_reduction <add>, %select_n3A_406, %reduce_sum3A_407 [1] : vector<128x2048xf32> to vector<128xf32>
      %iota3A_409 = tpu.iota {dimensions = array<i32: 0>} : vector<128x1xi32>
      %add3A_410 = arith.constant 385 : i32
      %add3A_411 = vector.broadcast %add3A_410 : i32 to vector<128x1xi32>
      %add3A_412 = arith.addi %iota3A_409, %add3A_411 : vector<128x1xi32>
      %eq3A_413 = vector.broadcast %slice3A_328 : vector<1x2048xi32> to vector<128x2048xi32>
      %eq3A_414 = vector.broadcast %add3A_412 : vector<128x1xi32> to vector<128x2048xi32>
      %eq3A_415 = arith.cmpi eq, %eq3A_413, %eq3A_414 : vector<128x2048xi32>
      %and3A_416 = vector.broadcast %slice3A_329 : vector<1x2048xi1> to vector<128x2048xi1>
      %and3A_417 = arith.andi %eq3A_415, %and3A_416 : vector<128x2048xi1>
      %add3A_418 = arith.constant 0 : i32
      %add3A_419 = vector.broadcast %add3A_418 : i32 to vector<1x2048xi32>
      %add3A_420 = arith.addi %iota3A, %add3A_419 : vector<1x2048xi32>
      %jit3A_421 = arith.constant 0 : i32
      %broadcast_in_dim3A_422 = vector.shape_cast %add3A_420 : vector<1x2048xi32> to vector<1x2048xi32>
      %broadcast_in_dim3A_423 = vector.broadcast %broadcast_in_dim3A_422 : vector<1x2048xi32> to vector<128x2048xi32>
      %broadcast_in_dim3A_424 = vector.broadcast %jit3A_421 : i32 to vector<128x2048xi32>
      %select_n3A_425 = arith.select %and3A_417, %broadcast_in_dim3A_423, %broadcast_in_dim3A_424 : vector<128x2048xi1>, vector<128x2048xi32>
      %reduce_sum3A_426 = arith.constant dense<0> : vector<128xi32>
      %reduce_sum3A_427 = vector.multi_reduction <add>, %select_n3A_425, %reduce_sum3A_426 [1] : vector<128x2048xi32> to vector<128xi32>
      %jit3A_428 = arith.constant 0.000000e+00 : f32
      %broadcast_in_dim3A_429 = vector.shape_cast %slice3A_330 : vector<1x2048xf32> to vector<1x2048xf32>
      %broadcast_in_dim3A_430 = vector.broadcast %broadcast_in_dim3A_429 : vector<1x2048xf32> to vector<128x2048xf32>
      %broadcast_in_dim3A_431 = vector.broadcast %jit3A_428 : f32 to vector<128x2048xf32>
      %select_n3A_432 = arith.select %and3A_417, %broadcast_in_dim3A_430, %broadcast_in_dim3A_431 : vector<128x2048xi1>, vector<128x2048xf32>
      %reduce_sum3A_433 = arith.constant dense<0.000000e+00> : vector<128xf32>
      %reduce_sum3A_434 = vector.multi_reduction <add>, %select_n3A_432, %reduce_sum3A_433 [1] : vector<128x2048xf32> to vector<128xf32>
      %concatenate3A_435 = tpu.concatenate %reduce_sum3A_349, %reduce_sum3A_375, %reduce_sum3A_401, %reduce_sum3A_427 in 0 : vector<128xi32>, vector<128xi32>, vector<128xi32>, vector<128xi32> -> vector<512xi32>
      %concatenate3A_436 = tpu.concatenate %reduce_sum3A_356, %reduce_sum3A_382, %reduce_sum3A_408, %reduce_sum3A_434 in 0 : vector<128xf32>, vector<128xf32>, vector<128xf32>, vector<128xf32> -> vector<512xf32>
      %slice3A_437 = vector.extract_strided_slice %add3A_327 {offsets = [1, 0], sizes = [1, 2048], strides = [1, 1]} : vector<2x2048xi32> to vector<1x2048xi32>
      %slice3A_438 = vector.extract_strided_slice %or3A {offsets = [1, 0], sizes = [1, 2048], strides = [1, 1]} : vector<2x2048xi1> to vector<1x2048xi1>
      %slice3A_439 = vector.extract_strided_slice %get3A_170 {offsets = [1, 0], sizes = [1, 2048], strides = [1, 1]} : vector<2x2048xf32> to vector<1x2048xf32>
      %iota3A_440 = tpu.iota {dimensions = array<i32: 0>} : vector<128x1xi32>
      %add3A_441 = arith.constant 1 : i32
      %add3A_442 = vector.broadcast %add3A_441 : i32 to vector<128x1xi32>
      %add3A_443 = arith.addi %iota3A_440, %add3A_442 : vector<128x1xi32>
      %eq3A_444 = vector.broadcast %slice3A_437 : vector<1x2048xi32> to vector<128x2048xi32>
      %eq3A_445 = vector.broadcast %add3A_443 : vector<128x1xi32> to vector<128x2048xi32>
      %eq3A_446 = arith.cmpi eq, %eq3A_444, %eq3A_445 : vector<128x2048xi32>
      %and3A_447 = vector.broadcast %slice3A_438 : vector<1x2048xi1> to vector<128x2048xi1>
      %and3A_448 = arith.andi %eq3A_446, %and3A_447 : vector<128x2048xi1>
      %add3A_449 = arith.constant 2048 : i32
      %add3A_450 = vector.broadcast %add3A_449 : i32 to vector<1x2048xi32>
      %add3A_451 = arith.addi %iota3A, %add3A_450 : vector<1x2048xi32>
      %jit3A_452 = arith.constant 0 : i32
      %broadcast_in_dim3A_453 = vector.shape_cast %add3A_451 : vector<1x2048xi32> to vector<1x2048xi32>
      %broadcast_in_dim3A_454 = vector.broadcast %broadcast_in_dim3A_453 : vector<1x2048xi32> to vector<128x2048xi32>
      %broadcast_in_dim3A_455 = vector.broadcast %jit3A_452 : i32 to vector<128x2048xi32>
      %select_n3A_456 = arith.select %and3A_448, %broadcast_in_dim3A_454, %broadcast_in_dim3A_455 : vector<128x2048xi1>, vector<128x2048xi32>
      %reduce_sum3A_457 = arith.constant dense<0> : vector<128xi32>
      %reduce_sum3A_458 = vector.multi_reduction <add>, %select_n3A_456, %reduce_sum3A_457 [1] : vector<128x2048xi32> to vector<128xi32>
      %jit3A_459 = arith.constant 0.000000e+00 : f32
      %broadcast_in_dim3A_460 = vector.shape_cast %slice3A_439 : vector<1x2048xf32> to vector<1x2048xf32>
      %broadcast_in_dim3A_461 = vector.broadcast %broadcast_in_dim3A_460 : vector<1x2048xf32> to vector<128x2048xf32>
      %broadcast_in_dim3A_462 = vector.broadcast %jit3A_459 : f32 to vector<128x2048xf32>
      %select_n3A_463 = arith.select %and3A_448, %broadcast_in_dim3A_461, %broadcast_in_dim3A_462 : vector<128x2048xi1>, vector<128x2048xf32>
      %reduce_sum3A_464 = arith.constant dense<0.000000e+00> : vector<128xf32>
      %reduce_sum3A_465 = vector.multi_reduction <add>, %select_n3A_463, %reduce_sum3A_464 [1] : vector<128x2048xf32> to vector<128xf32>
      %iota3A_466 = tpu.iota {dimensions = array<i32: 0>} : vector<128x1xi32>
      %add3A_467 = arith.constant 129 : i32
      %add3A_468 = vector.broadcast %add3A_467 : i32 to vector<128x1xi32>
      %add3A_469 = arith.addi %iota3A_466, %add3A_468 : vector<128x1xi32>
      %eq3A_470 = vector.broadcast %slice3A_437 : vector<1x2048xi32> to vector<128x2048xi32>
      %eq3A_471 = vector.broadcast %add3A_469 : vector<128x1xi32> to vector<128x2048xi32>
      %eq3A_472 = arith.cmpi eq, %eq3A_470, %eq3A_471 : vector<128x2048xi32>
      %and3A_473 = vector.broadcast %slice3A_438 : vector<1x2048xi1> to vector<128x2048xi1>
      %and3A_474 = arith.andi %eq3A_472, %and3A_473 : vector<128x2048xi1>
      %add3A_475 = arith.constant 2048 : i32
      %add3A_476 = vector.broadcast %add3A_475 : i32 to vector<1x2048xi32>
      %add3A_477 = arith.addi %iota3A, %add3A_476 : vector<1x2048xi32>
      %jit3A_478 = arith.constant 0 : i32
      %broadcast_in_dim3A_479 = vector.shape_cast %add3A_477 : vector<1x2048xi32> to vector<1x2048xi32>
      %broadcast_in_dim3A_480 = vector.broadcast %broadcast_in_dim3A_479 : vector<1x2048xi32> to vector<128x2048xi32>
      %broadcast_in_dim3A_481 = vector.broadcast %jit3A_478 : i32 to vector<128x2048xi32>
      %select_n3A_482 = arith.select %and3A_474, %broadcast_in_dim3A_480, %broadcast_in_dim3A_481 : vector<128x2048xi1>, vector<128x2048xi32>
      %reduce_sum3A_483 = arith.constant dense<0> : vector<128xi32>
      %reduce_sum3A_484 = vector.multi_reduction <add>, %select_n3A_482, %reduce_sum3A_483 [1] : vector<128x2048xi32> to vector<128xi32>
      %jit3A_485 = arith.constant 0.000000e+00 : f32
      %broadcast_in_dim3A_486 = vector.shape_cast %slice3A_439 : vector<1x2048xf32> to vector<1x2048xf32>
      %broadcast_in_dim3A_487 = vector.broadcast %broadcast_in_dim3A_486 : vector<1x2048xf32> to vector<128x2048xf32>
      %broadcast_in_dim3A_488 = vector.broadcast %jit3A_485 : f32 to vector<128x2048xf32>
      %select_n3A_489 = arith.select %and3A_474, %broadcast_in_dim3A_487, %broadcast_in_dim3A_488 : vector<128x2048xi1>, vector<128x2048xf32>
      %reduce_sum3A_490 = arith.constant dense<0.000000e+00> : vector<128xf32>
      %reduce_sum3A_491 = vector.multi_reduction <add>, %select_n3A_489, %reduce_sum3A_490 [1] : vector<128x2048xf32> to vector<128xf32>
      %iota3A_492 = tpu.iota {dimensions = array<i32: 0>} : vector<128x1xi32>
      %add3A_493 = arith.constant 257 : i32
      %add3A_494 = vector.broadcast %add3A_493 : i32 to vector<128x1xi32>
      %add3A_495 = arith.addi %iota3A_492, %add3A_494 : vector<128x1xi32>
      %eq3A_496 = vector.broadcast %slice3A_437 : vector<1x2048xi32> to vector<128x2048xi32>
      %eq3A_497 = vector.broadcast %add3A_495 : vector<128x1xi32> to vector<128x2048xi32>
      %eq3A_498 = arith.cmpi eq, %eq3A_496, %eq3A_497 : vector<128x2048xi32>
      %and3A_499 = vector.broadcast %slice3A_438 : vector<1x2048xi1> to vector<128x2048xi1>
      %and3A_500 = arith.andi %eq3A_498, %and3A_499 : vector<128x2048xi1>
      %add3A_501 = arith.constant 2048 : i32
      %add3A_502 = vector.broadcast %add3A_501 : i32 to vector<1x2048xi32>
      %add3A_503 = arith.addi %iota3A, %add3A_502 : vector<1x2048xi32>
      %jit3A_504 = arith.constant 0 : i32
      %broadcast_in_dim3A_505 = vector.shape_cast %add3A_503 : vector<1x2048xi32> to vector<1x2048xi32>
      %broadcast_in_dim3A_506 = vector.broadcast %broadcast_in_dim3A_505 : vector<1x2048xi32> to vector<128x2048xi32>
      %broadcast_in_dim3A_507 = vector.broadcast %jit3A_504 : i32 to vector<128x2048xi32>
      %select_n3A_508 = arith.select %and3A_500, %broadcast_in_dim3A_506, %broadcast_in_dim3A_507 : vector<128x2048xi1>, vector<128x2048xi32>
      %reduce_sum3A_509 = arith.constant dense<0> : vector<128xi32>
      %reduce_sum3A_510 = vector.multi_reduction <add>, %select_n3A_508, %reduce_sum3A_509 [1] : vector<128x2048xi32> to vector<128xi32>
      %jit3A_511 = arith.constant 0.000000e+00 : f32
      %broadcast_in_dim3A_512 = vector.shape_cast %slice3A_439 : vector<1x2048xf32> to vector<1x2048xf32>
      %broadcast_in_dim3A_513 = vector.broadcast %broadcast_in_dim3A_512 : vector<1x2048xf32> to vector<128x2048xf32>
      %broadcast_in_dim3A_514 = vector.broadcast %jit3A_511 : f32 to vector<128x2048xf32>
      %select_n3A_515 = arith.select %and3A_500, %broadcast_in_dim3A_513, %broadcast_in_dim3A_514 : vector<128x2048xi1>, vector<128x2048xf32>
      %reduce_sum3A_516 = arith.constant dense<0.000000e+00> : vector<128xf32>
      %reduce_sum3A_517 = vector.multi_reduction <add>, %select_n3A_515, %reduce_sum3A_516 [1] : vector<128x2048xf32> to vector<128xf32>
      %iota3A_518 = tpu.iota {dimensions = array<i32: 0>} : vector<128x1xi32>
      %add3A_519 = arith.constant 385 : i32
      %add3A_520 = vector.broadcast %add3A_519 : i32 to vector<128x1xi32>
      %add3A_521 = arith.addi %iota3A_518, %add3A_520 : vector<128x1xi32>
      %eq3A_522 = vector.broadcast %slice3A_437 : vector<1x2048xi32> to vector<128x2048xi32>
      %eq3A_523 = vector.broadcast %add3A_521 : vector<128x1xi32> to vector<128x2048xi32>
      %eq3A_524 = arith.cmpi eq, %eq3A_522, %eq3A_523 : vector<128x2048xi32>
      %and3A_525 = vector.broadcast %slice3A_438 : vector<1x2048xi1> to vector<128x2048xi1>
      %and3A_526 = arith.andi %eq3A_524, %and3A_525 : vector<128x2048xi1>
      %add3A_527 = arith.constant 2048 : i32
      %add3A_528 = vector.broadcast %add3A_527 : i32 to vector<1x2048xi32>
      %add3A_529 = arith.addi %iota3A, %add3A_528 : vector<1x2048xi32>
      %jit3A_530 = arith.constant 0 : i32
      %broadcast_in_dim3A_531 = vector.shape_cast %add3A_529 : vector<1x2048xi32> to vector<1x2048xi32>
      %broadcast_in_dim3A_532 = vector.broadcast %broadcast_in_dim3A_531 : vector<1x2048xi32> to vector<128x2048xi32>
      %broadcast_in_dim3A_533 = vector.broadcast %jit3A_530 : i32 to vector<128x2048xi32>
      %select_n3A_534 = arith.select %and3A_526, %broadcast_in_dim3A_532, %broadcast_in_dim3A_533 : vector<128x2048xi1>, vector<128x2048xi32>
      %reduce_sum3A_535 = arith.constant dense<0> : vector<128xi32>
      %reduce_sum3A_536 = vector.multi_reduction <add>, %select_n3A_534, %reduce_sum3A_535 [1] : vector<128x2048xi32> to vector<128xi32>
      %jit3A_537 = arith.constant 0.000000e+00 : f32
      %broadcast_in_dim3A_538 = vector.shape_cast %slice3A_439 : vector<1x2048xf32> to vector<1x2048xf32>
      %broadcast_in_dim3A_539 = vector.broadcast %broadcast_in_dim3A_538 : vector<1x2048xf32> to vector<128x2048xf32>
      %broadcast_in_dim3A_540 = vector.broadcast %jit3A_537 : f32 to vector<128x2048xf32>
      %select_n3A_541 = arith.select %and3A_526, %broadcast_in_dim3A_539, %broadcast_in_dim3A_540 : vector<128x2048xi1>, vector<128x2048xf32>
      %reduce_sum3A_542 = arith.constant dense<0.000000e+00> : vector<128xf32>
      %reduce_sum3A_543 = vector.multi_reduction <add>, %select_n3A_541, %reduce_sum3A_542 [1] : vector<128x2048xf32> to vector<128xf32>
      %concatenate3A_544 = tpu.concatenate %reduce_sum3A_458, %reduce_sum3A_484, %reduce_sum3A_510, %reduce_sum3A_536 in 0 : vector<128xi32>, vector<128xi32>, vector<128xi32>, vector<128xi32> -> vector<512xi32>
      %concatenate3A_545 = tpu.concatenate %reduce_sum3A_465, %reduce_sum3A_491, %reduce_sum3A_517, %reduce_sum3A_543 in 0 : vector<128xf32>, vector<128xf32>, vector<128xf32>, vector<128xf32> -> vector<512xf32>
      %stack3A = vector.shape_cast %concatenate3A_435 : vector<512xi32> to vector<1x512xi32>
      %stack3A_546 = vector.shape_cast %concatenate3A_544 : vector<512xi32> to vector<1x512xi32>
      %stack3A_547 = tpu.concatenate %stack3A, %stack3A_546 in 0 : vector<1x512xi32>, vector<1x512xi32> -> vector<2x512xi32>
      %swap3A_548 = arith.constant 0 : index
      %swap3A_549 = arith.constant 0 : index
      %swap3A_550 = vector.load %arg13[%swap3A_548, %swap3A_549] : memref<2x512xi32, #tpu.memory_space<vmem>>, vector<2x512xi32>
      tpu.vector_store %arg13[%swap3A_548, %swap3A_549], %stack3A_547 {strides = array<i32>} : memref<2x512xi32, #tpu.memory_space<vmem>>, vector<2x512xi32>,
      %stack3A_551 = vector.shape_cast %concatenate3A_436 : vector<512xf32> to vector<1x512xf32>
      %stack3A_552 = vector.shape_cast %concatenate3A_545 : vector<512xf32> to vector<1x512xf32>
      %stack3A_553 = tpu.concatenate %stack3A_551, %stack3A_552 in 0 : vector<1x512xf32>, vector<1x512xf32> -> vector<2x512xf32>
      %swap3A_554 = arith.constant 0 : index
      %swap3A_555 = arith.constant 0 : index
      %swap3A_556 = vector.load %arg14[%swap3A_554, %swap3A_555] : memref<2x512xf32, #tpu.memory_space<vmem>>, vector<2x512xf32>
      tpu.vector_store %arg14[%swap3A_554, %swap3A_555], %stack3A_553 {strides = array<i32>} : memref<2x512xf32, #tpu.memory_space<vmem>>, vector<2x512xf32>,
    } else {
    }
    return
  }
  func.func @transform_0(%arg0: i32) -> (i32, i32) {
    %c0_i32 = arith.constant 0 : i32
    %c0_i32_0 = arith.constant 0 : i32
    return %arg0, %c0_i32 : i32, i32
  }
  func.func @transform_1(%arg0: i32) -> (i32, i32) {
    %c0_i32 = arith.constant 0 : i32
    %c0_i32_0 = arith.constant 0 : i32
    %c0_i32_1 = arith.constant 0 : i32
    return %c0_i32, %c0_i32_0 : i32, i32
  }
  func.func @transform_2(%arg0: i32) -> (i32, i32) {
    %c0_i32 = arith.constant 0 : i32
    %c0_i32_0 = arith.constant 0 : i32
    %c0_i32_1 = arith.constant 0 : i32
    return %c0_i32, %c0_i32_0 : i32, i32
  }
  func.func @transform_3(%arg0: i32) -> (i32, i32) {
    %c0_i32 = arith.constant 0 : i32
    %c0_i32_0 = arith.constant 0 : i32
    %c0_i32_1 = arith.constant 0 : i32
    return %c0_i32, %c0_i32_0 : i32, i32
  }
  func.func @transform_4(%arg0: i32) -> (i32, i32) {
    %c0_i32 = arith.constant 0 : i32
    %c0_i32_0 = arith.constant 0 : i32
    %c0_i32_1 = arith.constant 0 : i32
    return %c0_i32, %c0_i32_0 : i32, i32
  }
  func.func @transform_5(%arg0: i32) -> (i32, i32) {
    %c0_i32 = arith.constant 0 : i32
    %c0_i32_0 = arith.constant 0 : i32
    %c0_i32_1 = arith.constant 0 : i32
    return %c0_i32, %c0_i32_0 : i32, i32
  }
  func.func @transform_6(%arg0: i32) -> (i32, i32) {
    %c0_i32 = arith.constant 0 : i32
    %c0_i32_0 = arith.constant 0 : i32
    %c0_i32_1 = arith.constant 0 : i32
    return %c0_i32, %c0_i32_0 : i32, i32
  }
  func.func @transform_7(%arg0: i32) -> (i32, i32) {
    %c0_i32 = arith.constant 0 : i32
    %c0_i32_0 = arith.constant 0 : i32
    %c0_i32_1 = arith.constant 0 : i32
    return %c0_i32, %c0_i32_0 : i32, i32
  }
  func.func @transform_8(%arg0: i32) -> (i32, i32) {
    %c0_i32 = arith.constant 0 : i32
    %c0_i32_0 = arith.constant 0 : i32
    %c0_i32_1 = arith.constant 0 : i32
    return %c0_i32, %c0_i32_0 : i32, i32
  }
  func.func @transform_9(%arg0: i32) -> (i32, i32) {
    %c0_i32 = arith.constant 0 : i32
    %c0_i32_0 = arith.constant 0 : i32
    %c0_i32_1 = arith.constant 0 : i32
    return %c0_i32, %c0_i32_0 : i32, i32
  }
  func.func @transform_10(%arg0: i32) -> (i32, i32) {
    %c0_i32 = arith.constant 0 : i32
    %c0_i32_0 = arith.constant 0 : i32
    return %arg0, %c0_i32 : i32, i32
  }
  func.func @transform_11(%arg0: i32) -> (i32, i32, i32) {
    %c0_i32 = arith.constant 0 : i32
    %c0_i32_0 = arith.constant 0 : i32
    %c0_i32_1 = arith.constant 0 : i32
    return %arg0, %c0_i32, %c0_i32_0 : i32, i32, i32
  }
  func.func @transform_12(%arg0: i32) -> (i32, i32) {
    %c0_i32 = arith.constant 0 : i32
    %c0_i32_0 = arith.constant 0 : i32
    %c0_i32_1 = arith.constant 0 : i32
    return %c0_i32, %c0_i32_0 : i32, i32
  }
  func.func @transform_13(%arg0: i32) -> (i32, i32) {
    %c0_i32 = arith.constant 0 : i32
    %c0_i32_0 = arith.constant 0 : i32
    %c0_i32_1 = arith.constant 0 : i32
    return %c0_i32, %c0_i32_0 : i32, i32
  }
  func.func @transform_14(%arg0: i32) -> (i32, i32) {
    %c0_i32 = arith.constant 0 : i32
    %c0_i32_0 = arith.constant 0 : i32
    %c0_i32_1 = arith.constant 0 : i32
    return %c0_i32, %c0_i32_0 : i32, i32
  }
}

module attributes {stable_mosaic.version = 14 : i64} {
  func.func @_k4_body(%arg0: i32, %arg1: memref<256x768xf32, #tpu.memory_space<vmem>>, %arg2: memref<1x1x256xf32, #tpu.memory_space<vmem>>, %arg3: memref<1x768xf32, #tpu.memory_space<vmem>>, %arg4: memref<768x2048xf32, #tpu.memory_space<vmem>>, %arg5: memref<768x2048xf32, #tpu.memory_space<vmem>>, %arg6: memref<2048x768xf32, #tpu.memory_space<vmem>>, %arg7: memref<256x768xf32, #tpu.memory_space<vmem>>) attributes {dimension_semantics = [#tpu.dimension_semantics<arbitrary>], iteration_bounds = array<i64: 4>, scalar_prefetch = 0 : i64, scratch_operands = 0 : i64, tpu.core_type = #tpu.core_type<tc>, window_params = [{transform_indices = @transform_0, window_bounds = array<i64: 256, 768>}, {transform_indices = @transform_1, window_bounds = array<i64: 1, 1, 256>}, {pipeline_mode = #tpu.pipeline_mode<synchronous>, transform_indices = @transform_2, window_bounds = array<i64: 1, 768>}, {pipeline_mode = #tpu.pipeline_mode<synchronous>, transform_indices = @transform_3, window_bounds = array<i64: 768, 2048>}, {pipeline_mode = #tpu.pipeline_mode<synchronous>, transform_indices = @transform_4, window_bounds = array<i64: 768, 2048>}, {pipeline_mode = #tpu.pipeline_mode<synchronous>, transform_indices = @transform_5, window_bounds = array<i64: 2048, 768>}, {transform_indices = @transform_6, window_bounds = array<i64: 256, 768>}]} {
    %get3A = arith.constant 0 : index
    %get3A_0 = arith.constant 0 : index
    %get3A_1 = vector.load %arg1[%get3A, %get3A_0] : memref<256x768xf32, #tpu.memory_space<vmem>>, vector<256x768xf32>
    %get3A_2 = arith.constant 0 : index
    %get3A_3 = arith.constant 0 : index
    %get3A_4 = vector.load %arg3[%get3A_2, %get3A_3] : memref<1x768xf32, #tpu.memory_space<vmem>>, vector<1x768xf32>
    %mul3A = arith.mulf %get3A_1, %get3A_1 : vector<256x768xf32>
    %reduce_sum3A = arith.constant dense<0.000000e+00> : vector<256xf32>
    %reduce_sum3A_5 = vector.multi_reduction <add>, %mul3A, %reduce_sum3A [1] : vector<256x768xf32> to vector<256xf32>
    %broadcast_in_dim3A = vector.shape_cast %reduce_sum3A_5 : vector<256xf32> to vector<256x1xf32>
    %div3A = arith.constant 7.680000e+02 : f32
    %div3A_6 = vector.broadcast %div3A : f32 to vector<256x1xf32>
    %div3A_7 = arith.divf %broadcast_in_dim3A, %div3A_6 : vector<256x1xf32>
    %add3A = arith.constant 9.99999997E-7 : f32
    %add3A_8 = vector.broadcast %add3A : f32 to vector<256x1xf32>
    %add3A_9 = arith.addf %div3A_7, %add3A_8 : vector<256x1xf32>
    %rsqrt3A = math.rsqrt %add3A_9 : vector<256x1xf32>
    %mul3A_10 = vector.broadcast %rsqrt3A : vector<256x1xf32> to vector<256x768xf32>
    %mul3A_11 = arith.mulf %get3A_1, %mul3A_10 : vector<256x768xf32>
    %mul3A_12 = vector.broadcast %get3A_4 : vector<1x768xf32> to vector<256x768xf32>
    %mul3A_13 = arith.mulf %mul3A_11, %mul3A_12 : vector<256x768xf32>
    %get3A_14 = arith.constant 0 : index
    %get3A_15 = arith.constant 0 : index
    %get3A_16 = vector.load %arg4[%get3A_14, %get3A_15] : memref<768x2048xf32, #tpu.memory_space<vmem>>, vector<768x2048xf32>
    %dot_general3A = arith.constant dense<0.000000e+00> : vector<256x2048xf32>
    %dot_general3A_17 = tpu.matmul %mul3A_13, %get3A_16, %dot_general3A {dimension_numbers = #tpu.dot_dimension_numbers<[1], [0], [0], [1], [0, 0, 1, 1], [], []>, transpose_lhs_hint = false} : vector<256x768xf32>, vector<768x2048xf32>, vector<256x2048xf32> -> vector<256x2048xf32>
    %get3A_18 = arith.constant 0 : index
    %get3A_19 = arith.constant 0 : index
    %get3A_20 = vector.load %arg5[%get3A_18, %get3A_19] : memref<768x2048xf32, #tpu.memory_space<vmem>>, vector<768x2048xf32>
    %dot_general3A_21 = arith.constant dense<0.000000e+00> : vector<256x2048xf32>
    %dot_general3A_22 = tpu.matmul %mul3A_13, %get3A_20, %dot_general3A_21 {dimension_numbers = #tpu.dot_dimension_numbers<[1], [0], [0], [1], [0, 0, 1, 1], [], []>, transpose_lhs_hint = false} : vector<256x768xf32>, vector<768x2048xf32>, vector<256x2048xf32> -> vector<256x2048xf32>
    %logistic3A = arith.negf %dot_general3A_17 : vector<256x2048xf32>
    %logistic3A_23 = math.exp %logistic3A : vector<256x2048xf32>
    %logistic3A_24 = arith.constant 1.000000e+00 : f32
    %logistic3A_25 = vector.broadcast %logistic3A_24 : f32 to vector<256x2048xf32>
    %logistic3A_26 = arith.addf %logistic3A_25, %logistic3A_23 : vector<256x2048xf32>
    %logistic3A_27 = arith.divf %logistic3A_25, %logistic3A_26 : vector<256x2048xf32>
    %mul3A_28 = arith.mulf %dot_general3A_17, %logistic3A_27 : vector<256x2048xf32>
    %mul3A_29 = arith.mulf %mul3A_28, %dot_general3A_22 : vector<256x2048xf32>
    %get3A_30 = arith.constant 0 : index
    %get3A_31 = arith.constant 0 : index
    %get3A_32 = vector.load %arg6[%get3A_30, %get3A_31] : memref<2048x768xf32, #tpu.memory_space<vmem>>, vector<2048x768xf32>
    %dot_general3A_33 = arith.constant dense<0.000000e+00> : vector<256x768xf32>
    %dot_general3A_34 = tpu.matmul %mul3A_29, %get3A_32, %dot_general3A_33 {dimension_numbers = #tpu.dot_dimension_numbers<[1], [0], [0], [1], [0, 0, 1, 1], [], []>, transpose_lhs_hint = false} : vector<256x2048xf32>, vector<2048x768xf32>, vector<256x768xf32> -> vector<256x768xf32>
    %get3A_35 = arith.constant 0 : index
    %get3A_36 = arith.constant 0 : index
    %get3A_37 = arith.constant 0 : index
    %get3A_38 = vector.load %arg2[%get3A_35, %get3A_36, %get3A_37] : memref<1x1x256xf32, #tpu.memory_space<vmem>>, vector<1x1x256xf32>
    %reshape3A = vector.shape_cast %get3A_38 : vector<1x1x256xf32> to vector<256x1xf32>
    %mul3A_39 = vector.broadcast %reshape3A : vector<256x1xf32> to vector<256x768xf32>
    %mul3A_40 = arith.mulf %mul3A_39, %dot_general3A_34 : vector<256x768xf32>
    %add3A_41 = arith.addf %get3A_1, %mul3A_40 : vector<256x768xf32>
    %swap3A = arith.constant 0 : index
    %swap3A_42 = arith.constant 0 : index
    %swap3A_43 = vector.load %arg7[%swap3A, %swap3A_42] : memref<256x768xf32, #tpu.memory_space<vmem>>, vector<256x768xf32>
    tpu.vector_store %arg7[%swap3A, %swap3A_42], %add3A_41 {strides = array<i32>} : memref<256x768xf32, #tpu.memory_space<vmem>>, vector<256x768xf32>,
    return
  }
  func.func @transform_0(%arg0: i32) -> (i32, i32) {
    %c0_i32 = arith.constant 0 : i32
    %c0_i32_0 = arith.constant 0 : i32
    return %arg0, %c0_i32 : i32, i32
  }
  func.func @transform_1(%arg0: i32) -> (i32, i32, i32) {
    %c0_i32 = arith.constant 0 : i32
    %c0_i32_0 = arith.constant 0 : i32
    %c0_i32_1 = arith.constant 0 : i32
    return %arg0, %c0_i32, %c0_i32_0 : i32, i32, i32
  }
  func.func @transform_2(%arg0: i32) -> (i32, i32) {
    %c0_i32 = arith.constant 0 : i32
    %c0_i32_0 = arith.constant 0 : i32
    %c0_i32_1 = arith.constant 0 : i32
    return %c0_i32, %c0_i32_0 : i32, i32
  }
  func.func @transform_3(%arg0: i32) -> (i32, i32) {
    %c0_i32 = arith.constant 0 : i32
    %c0_i32_0 = arith.constant 0 : i32
    %c0_i32_1 = arith.constant 0 : i32
    return %c0_i32, %c0_i32_0 : i32, i32
  }
  func.func @transform_4(%arg0: i32) -> (i32, i32) {
    %c0_i32 = arith.constant 0 : i32
    %c0_i32_0 = arith.constant 0 : i32
    %c0_i32_1 = arith.constant 0 : i32
    return %c0_i32, %c0_i32_0 : i32, i32
  }
  func.func @transform_5(%arg0: i32) -> (i32, i32) {
    %c0_i32 = arith.constant 0 : i32
    %c0_i32_0 = arith.constant 0 : i32
    %c0_i32_1 = arith.constant 0 : i32
    return %c0_i32, %c0_i32_0 : i32, i32
  }
  func.func @transform_6(%arg0: i32) -> (i32, i32) {
    %c0_i32 = arith.constant 0 : i32
    %c0_i32_0 = arith.constant 0 : i32
    return %arg0, %c0_i32 : i32, i32
  }
}

</mosaic_0001>

<sc_bundles>
// kernel: kernel.6.cloned.1.call-start
scs
__scs_entry_jumppad:
0x0: {  	(pc) =	sbr.rel $0x88, $3  }
0x1: {  	(tag) =	ssettag $0x0;
	lr =	simm.s32 $0x1  }
0x2: {  	[smem:$0x3F93] =	sst lr;
	_ =	strace $0xD0000000  }
0x3: {  	_ = 	snop  }
0x4: {  	_ = 	snop  }
0x5: {  	_ = 	snop  }
0x6: {  	_ = 	snop  }
0x7: {  	_ = 	snop  }
__scs_overlays_trampoline_lowered:
0x8: {  	[smem:$0x3FA2] =	sst s0  }
0x9: {  	[smem:$0x3FA3] =	sst s1  }
0xa: {  	[smem:$0x3FA4] =	sst s2  }
0xb: {  	[smem:$0x3FA5] =	sst s3  }
0xc: {  	[smem:$0x3FA6] =	sst s4  }
0xd: {  	[smem:$0x3FA7] =	sst s5  }
0xe: {  	[smem:$0x3FA8] =	sst s6  }
0xf: {  	[smem:$0x3FA9] =	sst s7  }
0x10: {  	[smem:$0x3FAA] =	sst s8  }
0x11: {  	[smem:$0x3FAB] =	sst s9;
	s0 =	simm.s32 @!p0 $0x0  }
0x12: {  	s1 =	sld [smem:$0x3F91];
	s0 =	simm.s32 @p0 $0x1  }
0x13: {  	[smem:$0x3FAC] =	sst s0;
	s0 =	simm.s32 @!p1 $0x0  }
0x14: {  	s2 =	sld [smem:$0x3F90];
	s0 =	simm.s32 @p1 $0x1  }
0x15: {  	[smem:$0x3FAD] =	sst s0;
	s0 =	simm.s32 @!p2 $0x0  }
0x16: {  	s3 =	sld [smem:$0x3FDB];
	s0 =	simm.s32 @p2 $0x1  }
0x17: {  	s4 =	simm.s32 $0x1BF5;
	[smem:$0x3FAF] =	sst s0  }
0x18: {  	s0 =	sld [smem:$0x3F92];
	_ =	swait.ge [sflag:s4], $0x0  }
0x19: {  	s7 =	sld [smem:$0x3F93]  }
0x1a: {  	s8 =	sadd.s32 $0xFFFFE003, lr  }
0x1b: {  	s9 =	sadd.s32 $0xFFFFFEF7, lr;
	s5 =	simm.s32 $0xFFFFFFFF;
	p2 =	slt.u32 s8, $0xFFFFF086  }
0x1c: {  	p1 =	slt.u32 s9, $0xF7A;
	s5 =	simm.s32 @!p2 $0x0  }
0x1d: {  	s5 =	simm.s32 @p1 $0x1;
	p0 =	seq.s32 s7, s2  }
0x1e: {  	s7 =	smul.u32 @!p0 $0xF7A, s2;
	p2 =	seq.s32 @!p0 s5, $0x0  }
0x1f: {  	s9 =	smul.u32 $0xF7A, s1;
	s8 =	simm.s32 @!p0 $0x1BF5;
	p2 =	por !p2, p0  }
0x20: {  	[sflag:s8] =	ssyncset.s32 @!p0 $0xFFFFF086;
	s6 =	sadd.s32 @!p0 s3, s7;
	s7 =	simm.s32 @!p0 $0x108  }
0x21: {  	s3 =	sadd.s32 s3, s9;
	s6 =	sadd.s32 @!p0 $0x88, s6;
	s7 =	simm.s32 @p2 $0x1082  }
0x22: {  	[simem:s7], [sflag:s8] =	dma.local @!p0 [hbm:s6], $0xF7A  }
0x23: {  	s9 =	sor.u32 $0xD0000000, s2;
	s6 =	simm.s32 $0x108;
	_ =	swait.ge @!p0 [sflag:s8], $0x0  }
0x24: {  	s3 =	sadd.s32 $0x88, s3;
	s6 =	simm.s32 @!p1 $0x1082;
	[sflag:s4] =	ssyncset.s32 $0xFFFFF086  }
0x25: {  	[simem:s6], [sflag:s4] =	dma.local [hbm:s3], $0xF7A  }
0x26: {  	[smem:$0x3F93] =	sst s1;
	(tag) =	ssettag s2;
	_ =	strace s9  }
0x27: {  	s1 =	sld [smem:$0x3FA3]  }
0x28: {  	s2 =	sld [smem:$0x3FA4]  }
0x29: {  	s4 =	sld [smem:$0x3FA6]  }
0x2a: {  	p0 =	seq.s32 s5, $0x0;
	s5 =	sld [smem:$0x3FA7]  }
0x2b: {  	s6 =	sld [smem:$0x3FA8]  }
0x2c: {  	s7 =	sld [smem:$0x3FA9]  }
0x2d: {  	s3 =	simm.s32 $0x108;
	s8 =	sld [smem:$0x3FAA]  }
0x2e: {  	s3 =	simm.s32 @!p0 $0x1082;
	s9 =	sld [smem:$0x3FAB]  }
0x2f: {  	lr =	sadd.s32 s0, s3;
	s0 =	sld [smem:$0x3FA2]  }
0x30: {  	s3 =	sld [smem:$0x3FA5]  }
0x31: {  	[smem:$0x3FAE] =	sst s10  }
0x32: {  	s10 =	sld [smem:$0x3FAC];
	_ =	sdelay $0x3  }
0x33: {  	p0 =	seq.s32 s10, $0x1;
	s10 =	sld [smem:$0x3FAE];
	_ =	sdelay $0x3  }
0x34: {  	[smem:$0x3FAE] =	sst s10  }
0x35: {  	s10 =	sld [smem:$0x3FAD];
	_ =	sdelay $0x3  }
0x36: {  	p1 =	seq.s32 s10, $0x1;
	s10 =	sld [smem:$0x3FAE];
	_ =	sdelay $0x3  }
0x37: {  	[smem:$0x3FAE] =	sst s10  }
0x38: {  	s10 =	sld [smem:$0x3FAF]  }
0x39: {  	_ = 	snop;
	(pc) =	sbr.ind lr, $3  }
0x3a: {  	_ = 	snop  }
0x3b: {  	_ = 	snop  }
0x3c: {  	p2 =	seq.s32 s10, $0x1;
	s10 =	sld [smem:$0x3FAE]  }
0x3d: {  	_ =	shalt  }
0x3e: {  	_ =	shalt  }
0x3f: {  	_ =	shalt  }
0x40: {  	_ =	shalt  }
0x41: {  	_ =	shalt  }
0x42: {  	_ =	shalt  }
0x43: {  	_ =	shalt  }
0x44: {  	_ =	shalt  }
0x45: {  	_ =	shalt  }
0x46: {  	_ =	shalt  }
0x47: {  	_ =	shalt  }
0x48: {  	_ =	shalt  }
0x49: {  	_ =	shalt  }
0x4a: {  	_ =	shalt  }
0x4b: {  	_ =	shalt  }
0x4c: {  	_ =	shalt  }
0x4d: {  	_ =	shalt  }
0x4e: {  	_ =	shalt  }
0x4f: {  	_ =	shalt  }
0x50: {  	_ =	shalt  }
0x51: {  	_ =	shalt  }
0x52: {  	_ =	shalt  }
0x53: {  	_ =	shalt  }
0x54: {  	_ =	shalt  }
0x55: {  	_ =	shalt  }
0x56: {  	_ =	shalt  }
0x57: {  	_ =	shalt  }
0x58: {  	_ =	shalt  }
0x59: {  	_ =	shalt  }
0x5a: {  	_ =	shalt  }
0x5b: {  	_ =	shalt  }
0x5c: {  	_ =	shalt  }
0x5d: {  	_ =	shalt  }
0x5e: {  	_ =	shalt  }
0x5f: {  	_ =	shalt  }
0x60: {  	_ =	shalt  }
0x61: {  	_ =	shalt  }
0x62: {  	_ =	shalt  }
0x63: {  	_ =	shalt  }
0x64: {  	_ =	shalt  }
0x65: {  	_ =	shalt  }
0x66: {  	_ =	shalt  }
0x67: {  	_ =	shalt  }
0x68: {  	_ =	shalt  }
0x69: {  	_ =	shalt  }
0x6a: {  	_ =	shalt  }
0x6b: {  	_ =	shalt  }
0x6c: {  	_ =	shalt  }
0x6d: {  	_ =	shalt  }
0x6e: {  	_ =	shalt  }
0x6f: {  	_ =	shalt  }
0x70: {  	_ =	shalt  }
0x71: {  	_ =	shalt  }
0x72: {  	_ =	shalt  }
0x73: {  	_ =	shalt  }
0x74: {  	_ =	shalt  }
0x75: {  	_ =	shalt  }
0x76: {  	_ =	shalt  }
0x77: {  	_ =	shalt  }
0x78: {  	_ =	shalt  }
0x79: {  	_ =	shalt  }
0x7a: {  	_ =	shalt  }
0x7b: {  	_ =	shalt  }
0x7c: {  	_ =	shalt  }
0x7d: {  	_ =	shalt  }
0x7e: {  	_ =	shalt  }
0x7f: {  	_ =	shalt  }
0x80: {  	_ =	shalt  }
0x81: {  	_ =	shalt  }
0x82: {  	_ =	shalt  }
0x83: {  	_ =	shalt  }
0x84: {  	_ =	shalt  }
0x85: {  	_ =	shalt  }
0x86: {  	_ =	shalt  }
0x87: {  	_ =	shalt  }
.Lfunc_end0:
.L_simem_size_0:
called_computation_lowered:
.L_overlay_start_0:
0x88: {  	s2 =	sld [smem:$0x3FD9]  }
0x89: {  	s3 =	sld [smem:$0x3FFE];
	_ =	sdelay $0x1  }
0x8a: {  	s1 =	srdreg.scid  }
0x8b: {  	s0 =	sand.u32 $0x1, s1  }
0x8c: {  	s14 =	sshll.u32 s0, $0xA;
	s2 =	sadd.s32 s3, s2  }
0x8d: {  	s2 =	sadd.s32 s2, s14  }
0x8e: {  	[smem:$0x3FBA] =	sst s2  }
0x8f: {  	_ = 	snop  }
0x90: {  	s2 =	sld [smem:$0x3FD0];
	_ =	sdelay $0x2  }
0x91: {  	s15 =	simm.s32 $0xA;
	s4 =	simm.s32 $0x10  }
0x92: {  	[smem:s4], [sflag:s15] =	dma.local [hbm:s2], $0x1  }
0x93: {  	_ =	swait.eq [sflag:s15], $0x1  }
0x94: {  	[sflag:s15] =	ssyncset.done $0x0  }
0x95: {  	[sflag:s15] =	ssyncadd.s32 $0xFFFFFFFF  }
0x96: {  	s16 =	sld [smem:$0x10];
	(tm) =	ssettm $0x1  }
0x97: {  	s17 =	sld [smem:$0x3FFB];
	_ =	sdelay $0x3  }
0x98: {  	_ =	strace s17  }
0x99: {  	s3 =	sld [smem:$0x3FFC];
	_ =	sdelay $0x3  }
0x9a: {  	_ =	strace s3  }
0x9b: {  	s3 =	sld [smem:$0x3FFD];
	_ =	sdelay $0x3  }
0x9c: {  	_ =	strace s3  }
0x9d: {  	_ =	strace $0x8FFFFFFF  }
0x9e: {  	s18 =	sld [smem:$0x3FDB];
	_ =	sdelay $0x1  }
0x9f: {  	s19 =	simm.s32 $_scs_section_size  }
0xa0: {  	s5 =	simm.s32 $_size__tile_overlayer_lowered;
	s6 =	simm.s32 $_tile_overlayer_lowered  }
0xa1: {  	s22 =	simm.s32 $0x1BFF;
	s21 =	sshll.u32 s6, $0x1;
	s3 =	sadd.s32 s19, s18  }
0xa2: {  	s7 =	simm.s32 $0x0;
	s20 =	sshll.u32 s5, $0x1;
	s5 =	sadd.s32 s21, s3  }
0xa3: {  	[timem:s7], [sflag:s22] =	dma.local [hbm:s5], s20  }
0xa4: {  	_ =	swait.ge [sflag:s22], s20  }
0xa5: {  	s4 =	ssub.s32 $0x0, s20;
	[sflag:s22] =	ssyncset.done $0x0  }
0xa6: {  	[sflag:s22] =	ssyncadd.s32 s4;
	_ =	sdelay $0x1  }
0xa7: {  	s23 =	simm.s32 $0x1B8B  }
0xa8: {  	_ =	swait.ge [sflag:s23], $0x1  }
0xa9: {  	[sflag:s23] =	ssyncset.done $0x0  }
0xaa: {  	s25 =	simm.s32 $0x1B8E;
	s24 =	sld [smem:$0x3FFE];
	[sflag:s23] =	ssyncadd.s32 $0xFFFFFFFF  }
0xab: {  	s26 =	simm.s32 $execute0_lowered;
	[smem:$0x3FD2] =	sst s25  }
0xac: {  	s5 =	sshll.u32 s26, $0x1;
	_ =	strace $0x80000046;
	[dreg:$0x1] =	wrdreg $0xFFFFFFFF  }
0xad: {  	s28 =	simm.s32 $_size_execute0_lowered;
	s3 =	sadd.s32 s3, s5;
	[dreg:$0x0] =	wrdreg $0x0  }
0xae: {  	s5 =	sshll.u32 s28, $0x1;
	[dreg:$0x2] =	wrdreg s3  }
0xaf: {  	[dreg:$0x3] =	wrdreg s5  }
0xb0: {  	[dreg:$0x4] =	wrdreg $0xC0  }
0xb1: {  	_ =	task [dreg:s7], $0x5FFFF  }
0xb2: {  	[dreg:$0x1] =	wrdreg $0xFFFFFFFF  }
0xb3: {  	[dreg:$0x0] =	wrdreg $0x60  }
0xb4: {  	[dreg:$0x2] =	wrdreg s24  }
0xb5: {  	[dreg:$0x3] =	wrdreg s16  }
0xb6: {  	[dreg:$0x4] =	wrdreg $0x9  }
0xb7: {  	_ =	task.clear_ibuf [dreg:s7], $0x5FFFF;
	_ =	strace $0x90000046  }
0xb8: {  	s29 =	simm.s32 $0x9;
	_ =	strace $0x80000048  }
0xb9: {  	_ =	swait.ge [sflag:s29], $0x1  }
0xba: {  	[sflag:s29] =	ssyncadd.s32 $0xFFFFFFFF  }
0xbb: {  	_ =	strace $0x90000048  }
0xbc: {  	_ =	sfence  }
0xbd: {  	s30 =	sld [smem:$0x0];
	_ =	sdelay $0x2  }
0xbe: {  	s31 =	sshll.u32 s1, $0xD;
	s1 =	sshrl.u32 s1, $0x2  }
0xbf: {  	s3 =	sand.u32 $0x4000, s31;
	s1 =	sadd.s32 s1, s30  }
0xc0: {  	s0 =	sor.u32 s3, s0;
	s1 =	sshll.u32 s1, $0x11  }
0xc1: {  	s0 =	sor.u32 s1, s0  }
0xc2: {  	s0 =	sadd.s32 $0x8F2B, s0  }
0xc3: {  	[sflag:s0] =	ssyncadd.remote.s32 $0x1  }
0xc4: {  	_ =	sfence.sel $0xFFFF  }
0xc5: {  	[dreg:$0x0] =	wrdreg $0xFFFFFFFF;
	(pc) =	sbr.abs _section_cstart, $3  }
0xc6: {  	[dreg:$0x1] =	wrdreg $0xFFFFFFFF  }
0xc7: {  	_ =	task.clear_ibuf [dreg:s7], $0x2FFFF;
	_ =	strace $0x9FFFFFFF  }
0xc8: {  	(tm) =	ssettm $0x7FFFFFFF  }
0xc9: {  	_ =	shalt  }
tec
execute0_lowered:
.L_overlay_start_1:
0x0: {  	(tag) =	ssettag $0x1  }
0x1: {  	s6 =	rddreg [dreg:$0x0]  }
0x2: {  	s7 =	rddreg [dreg:$0x1]  }
0x3: {  	s0 =	rddreg [dreg:$0x2];
	s3 =	srdreg.scid  }
0x4: {  	s2 =	simm.s32 $0x0;
	s1 =	stileid.u32;
	s11 =	simm.s32 $0x880  }
0x5: {  	s12 =	simm.s32 $0x1080;
	s13 =	simm.s32 $0x1880;
	s14 =	simm.s32 $0x2080  }
0x6: {  	s15 =	simm.s32 $0x2880;
	s16 =	simm.s32 $0x3080;
	s17 =	simm.s32 $0x3880  }
0x7: {  	s18 =	simm.s32 $0x4080;
	s19 =	simm.s32 $0x4880;
	s20 =	simm.s32 $0x5080  }
0x8: {  	s21 =	simm.s32 $0x5880;
	s22 =	simm.s32 $0x1;
	s3 =	sand.u32 $0x1, s3  }
0x9: {  	[smem:$0x7FF] =	sst s2;
	s5 =	sshll.u32 s1, $0x2;
	s4 =	sshll.u32 s3, $0x6  }
0xa: {  	_ =	strace $0x80000047;
	s31 =	ssub.s32 $0x2, s3;
	s3 =	sadd.s32 $0x2400, s6  }
0xb: {  	s4 =	sor.u32 s5, s4;
	s9 =	sshrl.u32 s31, $0x1;
	s5 =	sadd.s32 $0x2500, s6  }
0xc: {  	v2 =	vlaneseq.u32;
	s8 =	sadd.s32 s4, s6;
	s10 =	smul.u32 $0x300, s4;
	s9 =	ssub.s32 s31, s9  }
0xd: {  	vm0 =	vmmov $0xffff;
	v1 =	vshrl.u32 v2, $0x3;
	s6 =	sadd.s32 $0x2600, s6;
	s4 =	sadd.s32 $0x62400, s8;
	s8 =	smax.u32 s9, $0x1  }
0xe: {  	v0 =	vand.u32 $0x7, v2;
	v2 =	vor.u32 $0x8, v2;
	v1 =	vmul.u32 $0x8, v1;
	s9 =	simm.s32 $0x2;
	s7 =	sadd.s32 s7, s10;
	s10 =	simm.s32 $0x80  }
.LBB2_1:
0xf: {  	[tilespmem:s2], [sflag:$0x2] =	stream.linear.gather [hbm4b:s4+s2], $0x20, $0x38;
	[tilespmem:$0x6080] =	vst v63  }
0x10: {  	_ =	swait.ge [sflag:s9], $0x20  }
0x11: {  	[sflag:s9] =	ssyncset.done $0x0  }
0x12: {  	[sflag:s9] =	ssyncadd.s32 $0xFFFFFFE0  }
0x13: {  	v3 =	vld [tilespmem:$0x0];
	_ =	sdelay $0x4  }
0x14: {  	v4 =	vshrl.u32 v3, $0x3  }
0x15: {  	v4 =	vmul.u32 $0x30, v4  }
0x16: {  	v3 =	vand.u32 $0x7, v3  }
0x17: {  	v3 =	vor.u32 v3, v4  }
0x18: {  	v4 =	vperm.xlane v3, v0;
	_ =	sdelay $0x1  }
0x19: {  	v4 =	vadd.s32 v1, v4;
	_ =	sdelay $0x3  }
0x1a: {  	v3 =	vperm.xlane v3, v2  }
0x1b: {  	[tilespmem:s10], [sflag:$0x1] =	stream.indirect_vreg.gather [hbm4b:s3+s2], $0x80, v4, vm0, $0xb8;
	[tilespmem:$0x6080] =	vst v63  }
0x1c: {  	v3 =	vadd.s32 v1, v3  }
0x1d: {  	[tilespmem:s11], [sflag:$0x1] =	stream.indirect_vreg.gather [hbm4b:s5+s2], $0x80, v4, vm0, $0xb8;
	[tilespmem:$0x6080] =	vst v63  }
0x1e: {  	_ = 	snop  }
0x1f: {  	[tilespmem:s12], [sflag:$0x1] =	stream.indirect_vreg.gather [hbm4b:s6+s2], $0x80, v4, vm0, $0xb8;
	[tilespmem:$0x6080] =	vst v63  }
0x20: {  	_ = 	snop  }
0x21: {  	[tilespmem:s13], [sflag:$0x1] =	stream.indirect_vreg.gather [hbm4b:s3+s2], $0x80, v3, vm0, $0xb8;
	[tilespmem:$0x6080] =	vst v63  }
0x22: {  	_ = 	snop  }
0x23: {  	[tilespmem:s14], [sflag:$0x1] =	stream.indirect_vreg.gather [hbm4b:s5+s2], $0x80, v3, vm0, $0xb8;
	[tilespmem:$0x6080] =	vst v63  }
0x24: {  	_ = 	snop  }
0x25: {  	[tilespmem:s15], [sflag:$0x1] =	stream.indirect_vreg.gather [hbm4b:s6+s2], $0x80, v3, vm0, $0xb8;
	[tilespmem:$0x6080] =	vst v63  }
0x26: {  	v3 =	vld [tilespmem:$0x10];
	_ =	sdelay $0x4  }
0x27: {  	v63 =	vshrl.u32 v3, $0x3  }
0x28: {  	v4 =	vmul.u32 $0x30, v63  }
0x29: {  	v3 =	vand.u32 $0x7, v3  }
0x2a: {  	v3 =	vor.u32 v3, v4  }
0x2b: {  	v4 =	vperm.xlane v3, v0;
	_ =	sdelay $0x1  }
0x2c: {  	v4 =	vadd.s32 v1, v4;
	_ =	sdelay $0x3  }
0x2d: {  	v3 =	vperm.xlane v3, v2  }
0x2e: {  	[tilespmem:s16], [sflag:$0x1] =	stream.indirect_vreg.gather [hbm4b:s3+s2], $0x80, v4, vm0, $0xb8;
	[tilespmem:$0x6080] =	vst v63  }
0x2f: {  	v3 =	vadd.s32 v1, v3  }
0x30: {  	[tilespmem:s17], [sflag:$0x1] =	stream.indirect_vreg.gather [hbm4b:s5+s2], $0x80, v4, vm0, $0xb8;
	[tilespmem:$0x6080] =	vst v63  }
0x31: {  	_ = 	snop  }
0x32: {  	[tilespmem:s18], [sflag:$0x1] =	stream.indirect_vreg.gather [hbm4b:s6+s2], $0x80, v4, vm0, $0xb8;
	[tilespmem:$0x6080] =	vst v63  }
0x33: {  	_ = 	snop  }
0x34: {  	[tilespmem:s19], [sflag:$0x1] =	stream.indirect_vreg.gather [hbm4b:s3+s2], $0x80, v3, vm0, $0xb8;
	[tilespmem:$0x6080] =	vst v63  }
0x35: {  	_ = 	snop  }
0x36: {  	[tilespmem:s20], [sflag:$0x1] =	stream.indirect_vreg.gather [hbm4b:s5+s2], $0x80, v3, vm0, $0xb8;
	[tilespmem:$0x6080] =	vst v63  }
0x37: {  	_ = 	snop  }
0x38: {  	[tilespmem:s21], [sflag:$0x1] =	stream.indirect_vreg.gather [hbm4b:s6+s2], $0x80, v3, vm0, $0xb8;
	[tilespmem:$0x6080] =	vst v63  }
0x39: {  	_ =	swait.ge [sflag:s22], $0x6000  }
0x3a: {  	p0 =	sne.s32 s8, $0x1;
	[sflag:s22] =	ssyncset.done $0x0  }
.Ltmp0:
0x3b: {  	[sflag:s22] =	ssyncadd.s32 $0xFFFFA000;
	(pc) =	sbr.rel @p0 .LBB2_1-.Ltmp0, $4  }
0x3c: {  	[hbm4b:s7+s2] =	stream.linear.scatter [tilespmem:s10], [sflag:$0x2], $0x6000, $0x38;
	[tilespmem:$0x6080] =	vst v63  }
0x3d: {  	_ =	swait.ge [sflag:s9], $0x6000  }
0x3e: {  	[sflag:s9] =	ssyncset.done $0x0  }
0x3f: {  	s8 =	sadd.s32 $0xFFFFFFFF, s8;
	[sflag:s9] =	ssyncadd.s32 $0xFFFFA000  }
0x40: {  	_ =	sfence.sel $0x180000  }
0x41: {  	[bflag:$0x0] =	sbarrier.arrive $0xFFFF  }
0x42: {  	p0 =	sne.s32 s1, $0x0;
	_ =	strace $0x90000047  }
0x43: {  	s0 =	sadd.s32 @!p0 $0x100000, s0;
	[bflag:$0x2] =	sbarrier.arrive $0xFFFF  }
0x44: {  	[sflag:s0] =	ssyncadd.tile.s32 @!p0 $0x1;
	_ =	shalt  }
.Lfunc_end2:
_tile_overlayer_lowered:
.L_overlay_start_2:
0x45: {  	(tag) =	ssettag $0x2  }
0x46: {  	s0 =	rddreg [dreg:$0x0];
	s2 =	stileid.u32  }
0x47: {  	s1 =	rddreg [dreg:$0x1];
	p0 =	sne.s32 s2, $0x0  }
0x48: {  	s3 =	rddreg [dreg:$0x2];
	[bflag:$0x3] =	sbarrier.arrive $0xFFFF;
	s2 =	simm.s32 @!p0 $0x1C02  }
0x49: {  	[timem:s3], [sflag:s2] =	dma.local @!p0 [hbm:s0], s1  }
0x4a: {  	s0 =	simm.s32 @!p0 $0x2  }
0x4b: {  	_ =	swait.ge @!p0 [sflag:s0], s1  }
0x4c: {  	s1 =	ssub.s32 @!p0 $0x0, s1;
	[sflag:s0] =	ssyncset.done @!p0 $0x0  }
0x4d: {  	[sflag:s0] =	ssyncadd.s32 @!p0 s1  }
0x4e: {  	[bflag:$0x3] =	sbarrier.arrive $0xFFFF  }
0x4f: {  	_ =	shalt  }

// kernel: kernel.9.cloned.1.call-start
scs
__scs_entry_jumppad:
0x0: {  	(pc) =	sbr.rel $0x88, $3  }
0x1: {  	(tag) =	ssettag $0x0;
	lr =	simm.s32 $0x1  }
0x2: {  	[smem:$0x3F93] =	sst lr;
	_ =	strace $0xD0000000  }
0x3: {  	_ = 	snop  }
0x4: {  	_ = 	snop  }
0x5: {  	_ = 	snop  }
0x6: {  	_ = 	snop  }
0x7: {  	_ = 	snop  }
__scs_overlays_trampoline_lowered:
0x8: {  	[smem:$0x3FA2] =	sst s0  }
0x9: {  	[smem:$0x3FA3] =	sst s1  }
0xa: {  	[smem:$0x3FA4] =	sst s2  }
0xb: {  	[smem:$0x3FA5] =	sst s3  }
0xc: {  	[smem:$0x3FA6] =	sst s4  }
0xd: {  	[smem:$0x3FA7] =	sst s5  }
0xe: {  	[smem:$0x3FA8] =	sst s6  }
0xf: {  	[smem:$0x3FA9] =	sst s7  }
0x10: {  	[smem:$0x3FAA] =	sst s8  }
0x11: {  	[smem:$0x3FAB] =	sst s9;
	s0 =	simm.s32 @!p0 $0x0  }
0x12: {  	s1 =	sld [smem:$0x3F91];
	s0 =	simm.s32 @p0 $0x1  }
0x13: {  	[smem:$0x3FAC] =	sst s0;
	s0 =	simm.s32 @!p1 $0x0  }
0x14: {  	s2 =	sld [smem:$0x3F90];
	s0 =	simm.s32 @p1 $0x1  }
0x15: {  	[smem:$0x3FAD] =	sst s0;
	s0 =	simm.s32 @!p2 $0x0  }
0x16: {  	s3 =	sld [smem:$0x3FDB];
	s0 =	simm.s32 @p2 $0x1  }
0x17: {  	s4 =	simm.s32 $0x1BF5;
	[smem:$0x3FAF] =	sst s0  }
0x18: {  	s0 =	sld [smem:$0x3F92];
	_ =	swait.ge [sflag:s4], $0x0  }
0x19: {  	s7 =	sld [smem:$0x3F93]  }
0x1a: {  	s8 =	sadd.s32 $0xFFFFE003, lr  }
0x1b: {  	s9 =	sadd.s32 $0xFFFFFEF7, lr;
	s5 =	simm.s32 $0xFFFFFFFF;
	p2 =	slt.u32 s8, $0xFFFFF086  }
0x1c: {  	p1 =	slt.u32 s9, $0xF7A;
	s5 =	simm.s32 @!p2 $0x0  }
0x1d: {  	s5 =	simm.s32 @p1 $0x1;
	p0 =	seq.s32 s7, s2  }
0x1e: {  	s7 =	smul.u32 @!p0 $0xF7A, s2;
	p2 =	seq.s32 @!p0 s5, $0x0  }
0x1f: {  	s9 =	smul.u32 $0xF7A, s1;
	s8 =	simm.s32 @!p0 $0x1BF5;
	p2 =	por !p2, p0  }
0x20: {  	[sflag:s8] =	ssyncset.s32 @!p0 $0xFFFFF086;
	s6 =	sadd.s32 @!p0 s3, s7;
	s7 =	simm.s32 @!p0 $0x108  }
0x21: {  	s3 =	sadd.s32 s3, s9;
	s6 =	sadd.s32 @!p0 $0x88, s6;
	s7 =	simm.s32 @p2 $0x1082  }
0x22: {  	[simem:s7], [sflag:s8] =	dma.local @!p0 [hbm:s6], $0xF7A  }
0x23: {  	s9 =	sor.u32 $0xD0000000, s2;
	s6 =	simm.s32 $0x108;
	_ =	swait.ge @!p0 [sflag:s8], $0x0  }
0x24: {  	s3 =	sadd.s32 $0x88, s3;
	s6 =	simm.s32 @!p1 $0x1082;
	[sflag:s4] =	ssyncset.s32 $0xFFFFF086  }
0x25: {  	[simem:s6], [sflag:s4] =	dma.local [hbm:s3], $0xF7A  }
0x26: {  	[smem:$0x3F93] =	sst s1;
	(tag) =	ssettag s2;
	_ =	strace s9  }
0x27: {  	s1 =	sld [smem:$0x3FA3]  }
0x28: {  	s2 =	sld [smem:$0x3FA4]  }
0x29: {  	s4 =	sld [smem:$0x3FA6]  }
0x2a: {  	p0 =	seq.s32 s5, $0x0;
	s5 =	sld [smem:$0x3FA7]  }
0x2b: {  	s6 =	sld [smem:$0x3FA8]  }
0x2c: {  	s7 =	sld [smem:$0x3FA9]  }
0x2d: {  	s3 =	simm.s32 $0x108;
	s8 =	sld [smem:$0x3FAA]  }
0x2e: {  	s3 =	simm.s32 @!p0 $0x1082;
	s9 =	sld [smem:$0x3FAB]  }
0x2f: {  	lr =	sadd.s32 s0, s3;
	s0 =	sld [smem:$0x3FA2]  }
0x30: {  	s3 =	sld [smem:$0x3FA5]  }
0x31: {  	[smem:$0x3FAE] =	sst s10  }
0x32: {  	s10 =	sld [smem:$0x3FAC];
	_ =	sdelay $0x3  }
0x33: {  	p0 =	seq.s32 s10, $0x1;
	s10 =	sld [smem:$0x3FAE];
	_ =	sdelay $0x3  }
0x34: {  	[smem:$0x3FAE] =	sst s10  }
0x35: {  	s10 =	sld [smem:$0x3FAD];
	_ =	sdelay $0x3  }
0x36: {  	p1 =	seq.s32 s10, $0x1;
	s10 =	sld [smem:$0x3FAE];
	_ =	sdelay $0x3  }
0x37: {  	[smem:$0x3FAE] =	sst s10  }
0x38: {  	s10 =	sld [smem:$0x3FAF]  }
0x39: {  	_ = 	snop;
	(pc) =	sbr.ind lr, $3  }
0x3a: {  	_ = 	snop  }
0x3b: {  	_ = 	snop  }
0x3c: {  	p2 =	seq.s32 s10, $0x1;
	s10 =	sld [smem:$0x3FAE]  }
0x3d: {  	_ =	shalt  }
0x3e: {  	_ =	shalt  }
0x3f: {  	_ =	shalt  }
0x40: {  	_ =	shalt  }
0x41: {  	_ =	shalt  }
0x42: {  	_ =	shalt  }
0x43: {  	_ =	shalt  }
0x44: {  	_ =	shalt  }
0x45: {  	_ =	shalt  }
0x46: {  	_ =	shalt  }
0x47: {  	_ =	shalt  }
0x48: {  	_ =	shalt  }
0x49: {  	_ =	shalt  }
0x4a: {  	_ =	shalt  }
0x4b: {  	_ =	shalt  }
0x4c: {  	_ =	shalt  }
0x4d: {  	_ =	shalt  }
0x4e: {  	_ =	shalt  }
0x4f: {  	_ =	shalt  }
0x50: {  	_ =	shalt  }
0x51: {  	_ =	shalt  }
0x52: {  	_ =	shalt  }
0x53: {  	_ =	shalt  }
0x54: {  	_ =	shalt  }
0x55: {  	_ =	shalt  }
0x56: {  	_ =	shalt  }
0x57: {  	_ =	shalt  }
0x58: {  	_ =	shalt  }
0x59: {  	_ =	shalt  }
0x5a: {  	_ =	shalt  }
0x5b: {  	_ =	shalt  }
0x5c: {  	_ =	shalt  }
0x5d: {  	_ =	shalt  }
0x5e: {  	_ =	shalt  }
0x5f: {  	_ =	shalt  }
0x60: {  	_ =	shalt  }
0x61: {  	_ =	shalt  }
0x62: {  	_ =	shalt  }
0x63: {  	_ =	shalt  }
0x64: {  	_ =	shalt  }
0x65: {  	_ =	shalt  }
0x66: {  	_ =	shalt  }
0x67: {  	_ =	shalt  }
0x68: {  	_ =	shalt  }
0x69: {  	_ =	shalt  }
0x6a: {  	_ =	shalt  }
0x6b: {  	_ =	shalt  }
0x6c: {  	_ =	shalt  }
0x6d: {  	_ =	shalt  }
0x6e: {  	_ =	shalt  }
0x6f: {  	_ =	shalt  }
0x70: {  	_ =	shalt  }
0x71: {  	_ =	shalt  }
0x72: {  	_ =	shalt  }
0x73: {  	_ =	shalt  }
0x74: {  	_ =	shalt  }
0x75: {  	_ =	shalt  }
0x76: {  	_ =	shalt  }
0x77: {  	_ =	shalt  }
0x78: {  	_ =	shalt  }
0x79: {  	_ =	shalt  }
0x7a: {  	_ =	shalt  }
0x7b: {  	_ =	shalt  }
0x7c: {  	_ =	shalt  }
0x7d: {  	_ =	shalt  }
0x7e: {  	_ =	shalt  }
0x7f: {  	_ =	shalt  }
0x80: {  	_ =	shalt  }
0x81: {  	_ =	shalt  }
0x82: {  	_ =	shalt  }
0x83: {  	_ =	shalt  }
0x84: {  	_ =	shalt  }
0x85: {  	_ =	shalt  }
0x86: {  	_ =	shalt  }
0x87: {  	_ =	shalt  }
.Lfunc_end0:
.L_simem_size_0:
called_computation.1_lowered:
.L_overlay_start_0:
0x88: {  	s2 =	sld [smem:$0x3FD9]  }
0x89: {  	s3 =	sld [smem:$0x3FFE];
	_ =	sdelay $0x1  }
0x8a: {  	s1 =	srdreg.scid  }
0x8b: {  	s0 =	sand.u32 $0x1, s1  }
0x8c: {  	s14 =	sshll.u32 s0, $0xA;
	s2 =	sadd.s32 s3, s2  }
0x8d: {  	s2 =	sadd.s32 s2, s14  }
0x8e: {  	[smem:$0x3FBA] =	sst s2  }
0x8f: {  	_ = 	snop  }
0x90: {  	s2 =	sld [smem:$0x3FD0];
	_ =	sdelay $0x2  }
0x91: {  	s15 =	simm.s32 $0xA;
	s4 =	simm.s32 $0x10  }
0x92: {  	[smem:s4], [sflag:s15] =	dma.local [hbm:s2], $0x1  }
0x93: {  	_ =	swait.eq [sflag:s15], $0x1  }
0x94: {  	[sflag:s15] =	ssyncset.done $0x0  }
0x95: {  	[sflag:s15] =	ssyncadd.s32 $0xFFFFFFFF  }
0x96: {  	s16 =	sld [smem:$0x10];
	(tm) =	ssettm $0x1  }
0x97: {  	s17 =	sld [smem:$0x3FFB];
	_ =	sdelay $0x3  }
0x98: {  	_ =	strace s17  }
0x99: {  	s3 =	sld [smem:$0x3FFC];
	_ =	sdelay $0x3  }
0x9a: {  	_ =	strace s3  }
0x9b: {  	s3 =	sld [smem:$0x3FFD];
	_ =	sdelay $0x3  }
0x9c: {  	_ =	strace s3  }
0x9d: {  	_ =	strace $0x8FFFFFFF  }
0x9e: {  	s18 =	sld [smem:$0x3FDB];
	_ =	sdelay $0x1  }
0x9f: {  	s19 =	simm.s32 $_scs_section_size  }
0xa0: {  	s5 =	simm.s32 $_size__tile_overlayer_lowered;
	s6 =	simm.s32 $_tile_overlayer_lowered  }
0xa1: {  	s22 =	simm.s32 $0x1BFF;
	s21 =	sshll.u32 s6, $0x1;
	s3 =	sadd.s32 s19, s18  }
0xa2: {  	s7 =	simm.s32 $0x0;
	s20 =	sshll.u32 s5, $0x1;
	s5 =	sadd.s32 s21, s3  }
0xa3: {  	[timem:s7], [sflag:s22] =	dma.local [hbm:s5], s20  }
0xa4: {  	_ =	swait.ge [sflag:s22], s20  }
0xa5: {  	s4 =	ssub.s32 $0x0, s20;
	[sflag:s22] =	ssyncset.done $0x0  }
0xa6: {  	[sflag:s22] =	ssyncadd.s32 s4;
	_ =	sdelay $0x1  }
0xa7: {  	s23 =	simm.s32 $0x1B8B  }
0xa8: {  	_ =	swait.ge [sflag:s23], $0x1  }
0xa9: {  	[sflag:s23] =	ssyncset.done $0x0  }
0xaa: {  	s25 =	simm.s32 $0x1B8E;
	s24 =	sld [smem:$0x3FFE];
	[sflag:s23] =	ssyncadd.s32 $0xFFFFFFFF  }
0xab: {  	s26 =	simm.s32 $execute0_lowered;
	[smem:$0x3FD2] =	sst s25  }
0xac: {  	s5 =	sshll.u32 s26, $0x1;
	_ =	strace $0x80000049;
	[dreg:$0x1] =	wrdreg $0xFFFFFFFF  }
0xad: {  	s28 =	simm.s32 $_size_execute0_lowered;
	s3 =	sadd.s32 s3, s5;
	[dreg:$0x0] =	wrdreg $0x0  }
0xae: {  	s5 =	sshll.u32 s28, $0x1;
	[dreg:$0x2] =	wrdreg s3  }
0xaf: {  	[dreg:$0x3] =	wrdreg s5  }
0xb0: {  	[dreg:$0x4] =	wrdreg $0xC0  }
0xb1: {  	_ =	task [dreg:s7], $0x5FFFF  }
0xb2: {  	[dreg:$0x1] =	wrdreg $0xFFFFFFFF  }
0xb3: {  	[dreg:$0x0] =	wrdreg $0x60  }
0xb4: {  	[dreg:$0x2] =	wrdreg s24  }
0xb5: {  	[dreg:$0x3] =	wrdreg s16  }
0xb6: {  	[dreg:$0x4] =	wrdreg $0x9  }
0xb7: {  	_ =	task.clear_ibuf [dreg:s7], $0x5FFFF;
	_ =	strace $0x90000049  }
0xb8: {  	s29 =	simm.s32 $0x9;
	_ =	strace $0x8000004B  }
0xb9: {  	_ =	swait.ge [sflag:s29], $0x1  }
0xba: {  	[sflag:s29] =	ssyncadd.s32 $0xFFFFFFFF  }
0xbb: {  	_ =	strace $0x9000004B  }
0xbc: {  	_ =	sfence  }
0xbd: {  	s30 =	sld [smem:$0x0];
	_ =	sdelay $0x2  }
0xbe: {  	s31 =	sshll.u32 s1, $0xD;
	s1 =	sshrl.u32 s1, $0x2  }
0xbf: {  	s3 =	sand.u32 $0x4000, s31;
	s1 =	sadd.s32 s1, s30  }
0xc0: {  	s0 =	sor.u32 s3, s0;
	s1 =	sshll.u32 s1, $0x11  }
0xc1: {  	s0 =	sor.u32 s1, s0  }
0xc2: {  	s0 =	sadd.s32 $0x8F2B, s0  }
0xc3: {  	[sflag:s0] =	ssyncadd.remote.s32 $0x1  }
0xc4: {  	_ =	sfence.sel $0xFFFF  }
0xc5: {  	[dreg:$0x0] =	wrdreg $0xFFFFFFFF;
	(pc) =	sbr.abs _section_cstart, $3  }
0xc6: {  	[dreg:$0x1] =	wrdreg $0xFFFFFFFF  }
0xc7: {  	_ =	task.clear_ibuf [dreg:s7], $0x2FFFF;
	_ =	strace $0x9FFFFFFF  }
0xc8: {  	(tm) =	ssettm $0x7FFFFFFF  }
0xc9: {  	_ =	shalt  }
tec
execute0_lowered:
.L_overlay_start_1:
0x0: {  	(tag) =	ssettag $0x1  }
0x1: {  	s4 =	rddreg [dreg:$0x0];
	s0 =	srdreg.scid  }
0x2: {  	s2 =	rddreg [dreg:$0x1];
	s1 =	stileid.u32  }
0x3: {  	s12 =	simm.s32 $0x2;
	s13 =	simm.s32 $0x80;
	s14 =	simm.s32 $0x880  }
0x4: {  	s15 =	simm.s32 $0x1080;
	s16 =	simm.s32 $0x1880;
	s17 =	simm.s32 $0x2080  }
0x5: {  	s18 =	simm.s32 $0x2880;
	s19 =	simm.s32 $0x3080;
	s20 =	simm.s32 $0x3880  }
0x6: {  	s21 =	simm.s32 $0x4080;
	s22 =	simm.s32 $0x4880;
	s23 =	simm.s32 $0x5080  }
0x7: {  	s24 =	simm.s32 $0x5880;
	s25 =	simm.s32 $0x1;
	s5 =	sand.u32 $0x1, s0  }
0x8: {  	s0 =	rddreg [dreg:$0x2];
	s6 =	sshll.u32 s1, $0x4;
	s8 =	sshll.u32 s1, $0x2  }
0x9: {  	s31 =	sshll.u32 s1, $0x6;
	s10 =	sadd.s32 $0x200, s2;
	s3 =	sshll.u32 s5, $0x8  }
0xa: {  	s7 =	sshll.u32 s5, $0x6;
	s5 =	ssub.s32 $0x2, s5;
	s6 =	sor.u32 s6, s3  }
0xb: {  	s3 =	simm.s32 $0x0;
	s7 =	sor.u32 s8, s7;
	s6 =	smul.u32 $0x300, s6  }
0xc: {  	s30 =	sshrl.u32 s5, $0x1;
	[smem:$0x7FF] =	sst s3;
	s8 =	smul.u32 $0x300, s7  }
0xd: {  	s7 =	sadd.s32 s7, s4;
	s11 =	ssub.s32 s5, s30;
	_ =	strace $0x8000004A  }
0xe: {  	v2 =	vlaneseq.u32;
	s7 =	sadd.s32 $0x62400, s7;
	s11 =	smax.u32 s11, $0x1;
	s9 =	sadd.s32 s6, s4  }
0xf: {  	vm0 =	vmmov $0xffff;
	v1 =	vshrl.u32 v2, $0x3;
	s8 =	sadd.s32 s8, s4;
	s5 =	sadd.s32 s2, s6;
	s6 =	sor.u32 $0x1C02, s31  }
0x10: {  	v0 =	vand.u32 $0x7, v2;
	v2 =	vor.u32 $0x8, v2;
	v1 =	vmul.u32 $0x8, v1;
	s4 =	sadd.s32 $0x2400, s9;
	s8 =	sadd.s32 $0x62600, s8;
	s9 =	sadd.s32 $0x100, s2  }
.LBB2_1:
0x11: {  	[hbm:s5], [sflag:s6] =	dma.local [hbm:s4], $0x3000  }
0x12: {  	_ =	swait.ge [sflag:s12], $0x3000  }
0x13: {  	[sflag:s12] =	ssyncset.done $0x0  }
0x14: {  	[sflag:s12] =	ssyncadd.s32 $0xFFFFD000  }
0x15: {  	[bflag:$0x0] =	sbarrier.arrive $0xFFFF  }
0x16: {  	[tilespmem:s3], [sflag:$0x2] =	stream.linear.gather [hbm4b:s7+s3], $0x20, $0x38;
	[tilespmem:$0x6080] =	vst v63  }
0x17: {  	_ =	swait.ge [sflag:s12], $0x20  }
0x18: {  	[sflag:s12] =	ssyncset.done $0x0  }
0x19: {  	[sflag:s12] =	ssyncadd.s32 $0xFFFFFFE0  }
0x1a: {  	[tilespmem:s13], [sflag:$0x2] =	stream.linear.gather [hbm4b:s8+s3], $0x6000, $0x38;
	[tilespmem:$0x6080] =	vst v63  }
0x1b: {  	_ =	swait.ge [sflag:s12], $0x6000  }
0x1c: {  	[sflag:s12] =	ssyncset.done $0x0  }
0x1d: {  	[sflag:s12] =	ssyncadd.s32 $0xFFFFA000  }
0x1e: {  	v3 =	vld [tilespmem:$0x0];
	_ =	sdelay $0x4  }
0x1f: {  	v4 =	vshrl.u32 v3, $0x3  }
0x20: {  	v4 =	vmul.u32 $0x30, v4  }
0x21: {  	v3 =	vand.u32 $0x7, v3  }
0x22: {  	v3 =	vor.u32 v3, v4  }
0x23: {  	v4 =	vperm.xlane v3, v0;
	_ =	sdelay $0x1  }
0x24: {  	v4 =	vadd.s32 v1, v4;
	_ =	sdelay $0x3  }
0x25: {  	v3 =	vperm.xlane v3, v2  }
0x26: {  	[hbm4b:s2+s3] =	stream.indirect_vreg.scatter [tilespmem:s13], [sflag:$0x1], $0x80, v4, vm0, $0xb8;
	[tilespmem:$0x6080] =	vst v63  }
0x27: {  	v3 =	vadd.s32 v1, v3  }
0x28: {  	[hbm4b:s9+s3] =	stream.indirect_vreg.scatter [tilespmem:s14], [sflag:$0x1], $0x80, v4, vm0, $0xb8;
	[tilespmem:$0x6080] =	vst v63  }
0x29: {  	_ = 	snop  }
0x2a: {  	[hbm4b:s10+s3] =	stream.indirect_vreg.scatter [tilespmem:s15], [sflag:$0x1], $0x80, v4, vm0, $0xb8;
	[tilespmem:$0x6080] =	vst v63  }
0x2b: {  	_ = 	snop  }
0x2c: {  	[hbm4b:s2+s3] =	stream.indirect_vreg.scatter [tilespmem:s16], [sflag:$0x1], $0x80, v3, vm0, $0xb8;
	[tilespmem:$0x6080] =	vst v63  }
0x2d: {  	_ = 	snop  }
0x2e: {  	[hbm4b:s9+s3] =	stream.indirect_vreg.scatter [tilespmem:s17], [sflag:$0x1], $0x80, v3, vm0, $0xb8;
	[tilespmem:$0x6080] =	vst v63  }
0x2f: {  	_ = 	snop  }
0x30: {  	[hbm4b:s10+s3] =	stream.indirect_vreg.scatter [tilespmem:s18], [sflag:$0x1], $0x80, v3, vm0, $0xb8;
	[tilespmem:$0x6080] =	vst v63  }
0x31: {  	v3 =	vld [tilespmem:$0x10];
	_ =	sdelay $0x4  }
0x32: {  	v63 =	vshrl.u32 v3, $0x3  }
0x33: {  	v4 =	vmul.u32 $0x30, v63  }
0x34: {  	v3 =	vand.u32 $0x7, v3  }
0x35: {  	v3 =	vor.u32 v3, v4  }
0x36: {  	v4 =	vperm.xlane v3, v0;
	_ =	sdelay $0x1  }
0x37: {  	v4 =	vadd.s32 v1, v4;
	_ =	sdelay $0x3  }
0x38: {  	v3 =	vperm.xlane v3, v2  }
0x39: {  	[hbm4b:s2+s3] =	stream.indirect_vreg.scatter [tilespmem:s19], [sflag:$0x1], $0x80, v4, vm0, $0xb8;
	[tilespmem:$0x6080] =	vst v63  }
0x3a: {  	v3 =	vadd.s32 v1, v3  }
0x3b: {  	[hbm4b:s9+s3] =	stream.indirect_vreg.scatter [tilespmem:s20], [sflag:$0x1], $0x80, v4, vm0, $0xb8;
	[tilespmem:$0x6080] =	vst v63  }
0x3c: {  	_ = 	snop  }
0x3d: {  	[hbm4b:s10+s3] =	stream.indirect_vreg.scatter [tilespmem:s21], [sflag:$0x1], $0x80, v4, vm0, $0xb8;
	[tilespmem:$0x6080] =	vst v63  }
0x3e: {  	_ = 	snop  }
0x3f: {  	[hbm4b:s2+s3] =	stream.indirect_vreg.scatter [tilespmem:s22], [sflag:$0x1], $0x80, v3, vm0, $0xb8;
	[tilespmem:$0x6080] =	vst v63  }
0x40: {  	p0 =	sne.s32 s11, $0x1  }
0x41: {  	[hbm4b:s9+s3] =	stream.indirect_vreg.scatter [tilespmem:s23], [sflag:$0x1], $0x80, v3, vm0, $0xb8;
	[tilespmem:$0x6080] =	vst v63  }
.Ltmp0:
0x42: {  	_ = 	snop;
	(pc) =	sbr.rel @p0 .LBB2_1-.Ltmp0, $4  }
0x43: {  	[hbm4b:s10+s3] =	stream.indirect_vreg.scatter [tilespmem:s24], [sflag:$0x1], $0x80, v3, vm0, $0xb8;
	[tilespmem:$0x6080] =	vst v63  }
0x44: {  	_ =	swait.ge [sflag:s25], $0x6000  }
0x45: {  	[sflag:s25] =	ssyncset.done $0x0  }
0x46: {  	s11 =	sadd.s32 $0xFFFFFFFF, s11;
	[sflag:s25] =	ssyncadd.s32 $0xFFFFA000  }
0x47: {  	_ =	sfence.sel $0x180000  }
0x48: {  	[bflag:$0x0] =	sbarrier.arrive $0xFFFF  }
0x49: {  	p0 =	sne.s32 s1, $0x0;
	_ =	strace $0x9000004A  }
0x4a: {  	s0 =	sadd.s32 @!p0 $0x100000, s0;
	[bflag:$0x2] =	sbarrier.arrive $0xFFFF  }
0x4b: {  	[sflag:s0] =	ssyncadd.tile.s32 @!p0 $0x1;
	_ =	shalt  }
.Lfunc_end2:
_tile_overlayer_lowered:
.L_overlay_start_2:
0x4c: {  	(tag) =	ssettag $0x2  }
0x4d: {  	s0 =	rddreg [dreg:$0x0];
	s2 =	stileid.u32  }
0x4e: {  	s1 =	rddreg [dreg:$0x1];
	p0 =	sne.s32 s2, $0x0  }
0x4f: {  	s3 =	rddreg [dreg:$0x2];
	[bflag:$0x3] =	sbarrier.arrive $0xFFFF;
	s2 =	simm.s32 @!p0 $0x1C02  }
0x50: {  	[timem:s3], [sflag:s2] =	dma.local @!p0 [hbm:s0], s1  }
0x51: {  	s0 =	simm.s32 @!p0 $0x2  }
0x52: {  	_ =	swait.ge @!p0 [sflag:s0], s1  }
0x53: {  	s1 =	ssub.s32 @!p0 $0x0, s1;
	[sflag:s0] =	ssyncset.done @!p0 $0x0  }
0x54: {  	[sflag:s0] =	ssyncadd.s32 @!p0 s1  }
0x55: {  	[bflag:$0x3] =	sbarrier.arrive $0xFFFF  }
0x56: {  	_ =	shalt  }

</sc_bundles>
